<compile_context>
chip_gen: v7x
topology: tpu7x:2x2x1
jax: 0.10.2.dev20260603
libtpu: 0.0.44.dev20260713+nightly
codegen_flags: <defaults>
</compile_context>

<pallas_src>
import functools

import jax
import jax.numpy as jnp
from jax import lax
from jax.experimental import pallas as pl
from jax.experimental.pallas import tpu as pltpu
from jax.experimental.pallas import tpu_sc as plsc

N_NODES = 10000
N_EDGES = 320000
D = 128
LANES = 16

NC = 2
NS = 16
NW = NC * NS
B = 64
G_CHUNKS = N_EDGES // B
KE = (G_CHUNKS + NW - 1) // NW
ZB = 8
NBLK = N_NODES // ZB
KMAX = (NBLK + NS - 1) // NS

_mesh = plsc.VectorSubcoreMesh(core_axis_name="c", subcore_axis_name="s")


@functools.partial(
    pl.kernel,
    mesh=_mesh,
    out_type=jax.ShapeDtypeStruct((NC, N_NODES, D), jnp.float32),
    scratch_types=[
        pltpu.VMEM_SHARED((N_NODES, D), jnp.float32),
        pltpu.VMEM((B,), jnp.int32),
        pltpu.VMEM((B,), jnp.int32),
        pltpu.VMEM((B, D), jnp.float32),
        pltpu.VMEM((B, D), jnp.float32),
        pltpu.VMEM((B,), jnp.int32),
        pltpu.VMEM((B,), jnp.int32),
        pltpu.VMEM((B, D), jnp.float32),
        pltpu.VMEM((B, D), jnp.float32),
        pltpu.VMEM((B,), jnp.int32),
        pltpu.VMEM((B,), jnp.int32),
        pltpu.VMEM((B, D), jnp.float32),
        pltpu.VMEM((B, D), jnp.float32),
        pltpu.VMEM((ZB, D), jnp.float32),
        pltpu.SemaphoreType.DMA,
        pltpu.SemaphoreType.DMA,
        pltpu.SemaphoreType.DMA,
        pltpu.SemaphoreType.DMA,
        pltpu.SemaphoreType.DMA,
        pltpu.SemaphoreType.DMA,
        pltpu.SemaphoreType.DMA,
        pltpu.SemaphoreType.DMA,
    ],
)
def _ffm_scatter(ei_hbm, edge_hbm, node_hbm, out_hbm,
                 acc, sidx0, tidx0, trows0, erows0,
                 sidx1, tidx1, trows1, erows1,
                 sidx2, tidx2, trows2, erows2, zbuf,
                 semA, semD, semB0, semB1, semB2, semE0, semE1, semE2):
    c = lax.axis_index("c")
    s = lax.axis_index("s")

    zero16 = jnp.zeros((LANES,), jnp.float32)

    def _zrow(r, _):
        for j in range(D // LANES):
            zbuf[r, pl.ds(j * LANES, LANES)] = zero16
        return 0

    lax.fori_loop(0, ZB, _zrow, 0)

    def _zissue(k, _):
        blk = s + k * NS

        @pl.when(blk < NBLK)
        def _():
            pltpu.async_copy(zbuf, acc.at[pl.ds(blk * ZB, ZB)], semA)

        return 0

    def _zdrain(k, _):
        blk = s + k * NS

        @pl.when(blk < NBLK)
        def _():
            pltpu.make_async_copy(zbuf, acc.at[pl.ds(blk * ZB, ZB)], semA).wait()

        return 0


    w = c * NS + s
    kcount = (G_CHUNKS - w + NW - 1) // NW
    bufs = ((sidx0, tidx0, trows0, erows0, semB0, semE0),
            (sidx1, tidx1, trows1, erows1, semB1, semE1),
            (sidx2, tidx2, trows2, erows2, semB2, semE2))

    def _issue_loads(t, b):
        eb = (w + t * NW) * B
        si, ti, _, er, _, se = bufs[b]
        pltpu.async_copy(ei_hbm.at[0, pl.ds(eb, B)], si, semA)
        pltpu.async_copy(ei_hbm.at[1, pl.ds(eb, B)], ti, semA)
        pltpu.async_copy(edge_hbm.at[pl.ds(eb, B)], er, se)

    def _wait_idx(t, b):
        eb = (w + t * NW) * B
        si, ti, _, _, _, _ = bufs[b]
        pltpu.make_async_copy(ei_hbm.at[0, pl.ds(eb, B)], si, semA).wait()
        pltpu.make_async_copy(ei_hbm.at[1, pl.ds(eb, B)], ti, semA).wait()

    def _wait_edge(t, b):
        eb = (w + t * NW) * B
        _, _, _, er, _, se = bufs[b]
        pltpu.make_async_copy(edge_hbm.at[pl.ds(eb, B)], er, se).wait()

    def _issue_gather(b):
        _, ti, tr, _, sb, _ = bufs[b]
        pltpu.async_copy(node_hbm.at[ti], tr, sb)

    def _wait_gather(b):
        _, ti, tr, _, sb, _ = bufs[b]
        pltpu.make_async_copy(node_hbm.at[ti], tr, sb).wait()

    def _issue_scatter(b):
        si, _, _, er, _, _ = bufs[b]
        pltpu.async_copy(er, acc.at[si], semD, add=True)

    def _wait_scatter(b):
        si, _, _, er, _, _ = bufs[b]
        pltpu.make_async_copy(er, acc.at[si], semD).wait()

    def _outer(i, _):
        t0 = i * 3
        for u in (0, 1, 2):
            t = t0 + u
            si, _, tr, er, _, _ = bufs[u]

            @pl.when((t >= 1) & (t <= kcount))
            def _():
                _wait_scatter((u + 2) % 3)

            @pl.when(t < kcount)
            def _():
                _wait_gather(u)

                @pl.when(t + 2 < kcount)
                def _():
                    _issue_loads(t + 2, (u + 2) % 3)

                _wait_edge(t, u)

                def _mul(e, _):
                    for j in range(D // LANES):
                        sl = pl.ds(j * LANES, LANES)
                        er[e, sl] = er[e, sl] * tr[e, sl]
                    return 0

                lax.fori_loop(0, B, _mul, 0)
                _issue_scatter(u)

                @pl.when(t + 2 < kcount)
                def _():
                    _wait_idx(t + 2, (u + 2) % 3)
                    _issue_gather((u + 2) % 3)

        return 0

    _issue_loads(0, 0)
    _wait_idx(0, 0)
    _issue_gather(0)
    _issue_loads(1, 1)
    _wait_idx(1, 1)
    _issue_gather(1)

    lax.fori_loop(0, KMAX, _zissue, 0)
    lax.fori_loop(0, KMAX, _zdrain, 0)
    plsc.subcore_barrier()

    lax.fori_loop(0, KE // 3 + 2, _outer, 0)
    plsc.subcore_barrier()

    WR = 624

    pltpu.sync_copy(acc.at[pl.ds(s * WR, WR)], out_hbm.at[c, pl.ds(s * WR, WR)])

    @pl.when(s == NS - 1)
    def _():
        pltpu.sync_copy(acc.at[pl.ds(NS * WR, N_NODES - NS * WR)],
                        out_hbm.at[c, pl.ds(NS * WR, N_NODES - NS * WR)])


def _combine_body(node_ref, p0_ref, p1_ref, out_ref):
    out_ref[...] = node_ref[...] * (1.0 + p0_ref[0] + p1_ref[0])


_ROWS_BLK = 2000


def _combine(node_embed, partials):
    spec = pl.BlockSpec((_ROWS_BLK, D), lambda i: (i, 0))
    p0spec = pl.BlockSpec((1, _ROWS_BLK, D), lambda i: (0, i, 0))
    p1spec = pl.BlockSpec((1, _ROWS_BLK, D), lambda i: (1, i, 0))
    return pl.pallas_call(
        _combine_body,
        out_shape=jax.ShapeDtypeStruct((N_NODES, D), jnp.float32),
        grid=(N_NODES // _ROWS_BLK,),
        in_specs=[spec, p0spec, p1spec],
        out_specs=spec,
    )(node_embed, partials, partials)


def kernel(node_embed, edge_index, edge_embed):
    edge_index = edge_index.astype(jnp.int32)
    partials = _ffm_scatter(edge_index, edge_embed, node_embed)
    return _combine(node_embed, partials)

# --- scband reference (transcript-rebuilt; emitter-appended) ---
"""Pipeline reference for scband-ffm-61306363183618 (READ-ONLY COPY).

The authoritative reference and input builder live on the scoring server;
editing this copy changes nothing except your own understanding.
"""

import jax, jax.numpy as jnp
import numpy as np

N_NODES = 10000
N_EDGES = 320000
D = 128


def setup_inputs(seed: int = 0) -> dict:
    key = jax.random.key(seed)
    k1, k2, k3 = jax.random.split(key, 3)
    node_embed = jax.random.normal(k1, (N_NODES, D), dtype=jnp.float32)
    edge_index = jax.random.randint(k2, (2, N_EDGES), 0, N_NODES, dtype=jnp.int64)
    edge_embed = jax.random.normal(k3, (N_EDGES, D), dtype=jnp.float32)
    return {"node_embed": node_embed, "edge_index": edge_index, "edge_embed": edge_embed}


def reference(node_embed, edge_index, edge_embed):
    # FFM message passing: for each edge (src, tgt):
    #   output[src] += node_embed[src] * node_embed[tgt] * edge_embed[e]
    # Loop reads original node_embed only, so vectorization via scatter-add is exact.
    src = edge_index[0]
    tgt = edge_index[1]
    src_feat = jnp.take(node_embed, src, axis=0)   # gather [E, D]
    tgt_feat = jnp.take(node_embed, tgt, axis=0)   # gather [E, D]
    ffm_interaction = src_feat * tgt_feat * edge_embed  # [E, D]
    agg = jnp.zeros_like(node_embed).at[src].add(ffm_interaction)  # scatter-add [N, D]
    output_embed = node_embed + agg
    return output_embed

if __name__ == "__main__":
    import jax
    _d = setup_inputs()
    print(jax.jit(kernel)(*tuple(_d.values())))

</pallas_src>

<mosaic_0001>
#map = affine_map<(d0, d1) -> (0, 0)>
#map1 = affine_map<(d0, d1) -> (0, 0, 0)>
module attributes {stable_mosaic.version = 14 : i64} {
  func.func @_ffm_scatter(%arg0: i32, %arg1: i32, %arg2: memref<2x320000xi32, #tpu.memory_space<hbm>>, %arg3: memref<320000x128xf32, #tpu.memory_space<hbm>>, %arg4: memref<10000x128xf32, #tpu.memory_space<hbm>>, %arg5: memref<2x10000x128xf32, #tpu.memory_space<hbm>>, %arg6: memref<10000x128xf32, #tpu.memory_space<vmem_shared>>, %arg7: memref<64xi32, #tpu.memory_space<vmem>>, %arg8: memref<64xi32, #tpu.memory_space<vmem>>, %arg9: memref<64x128xf32, #tpu.memory_space<vmem>>, %arg10: memref<64x128xf32, #tpu.memory_space<vmem>>, %arg11: memref<64xi32, #tpu.memory_space<vmem>>, %arg12: memref<64xi32, #tpu.memory_space<vmem>>, %arg13: memref<64x128xf32, #tpu.memory_space<vmem>>, %arg14: memref<64x128xf32, #tpu.memory_space<vmem>>, %arg15: memref<64xi32, #tpu.memory_space<vmem>>, %arg16: memref<64xi32, #tpu.memory_space<vmem>>, %arg17: memref<64x128xf32, #tpu.memory_space<vmem>>, %arg18: memref<64x128xf32, #tpu.memory_space<vmem>>, %arg19: memref<8x128xf32, #tpu.memory_space<vmem>>, %arg20: memref<!tpu.dma_semaphore, #tpu.memory_space<semaphore_mem>>, %arg21: memref<!tpu.dma_semaphore, #tpu.memory_space<semaphore_mem>>, %arg22: memref<!tpu.dma_semaphore, #tpu.memory_space<semaphore_mem>>, %arg23: memref<!tpu.dma_semaphore, #tpu.memory_space<semaphore_mem>>, %arg24: memref<!tpu.dma_semaphore, #tpu.memory_space<semaphore_mem>>, %arg25: memref<!tpu.dma_semaphore, #tpu.memory_space<semaphore_mem>>, %arg26: memref<!tpu.dma_semaphore, #tpu.memory_space<semaphore_mem>>, %arg27: memref<!tpu.dma_semaphore, #tpu.memory_space<semaphore_mem>>) attributes {dimension_semantics = [#tpu.dimension_semantics<core_parallel>, #tpu.dimension_semantics<subcore_parallel>], iteration_bounds = array<i64: 2, 16>, scalar_prefetch = 0 : i64, scratch_operands = 22 : i64, tpu.core_type = #tpu.core_type<sc_vector_subcore>, window_params = [{transform_indices = #map}, {transform_indices = #map}, {transform_indices = #map}, {transform_indices = #map1}]} {
    %broadcast_in_dim3A = arith.constant 0.000000e+00 : f32
    %broadcast_in_dim3A_0 = vector.broadcast %broadcast_in_dim3A : f32 to vector<16xf32>
    %scan3A = arith.constant 0 : i32
    %scan3A_1 = arith.constant 0 : i32
    %scan3A_2 = arith.constant 8 : i32
    %scan3A_3 = arith.addi %scan3A_1, %scan3A_2 : i32
    %scan3A_4 = arith.constant 1 : i32
    %scan3A_5 = scf.for %scan3A_126 = %scan3A_1 to %scan3A_3 step %scan3A_4 iter_args(%scan3A_127 = %scan3A) -> (i32)  : i32 {
      %swap3A = arith.index_cast %scan3A_126 : i32 to index
      %swap3A_128 = arith.constant 0 : index
      %swap3A_129 = tpu.vector_load %arg19[%swap3A, %swap3A_128] {strides = array<i32>} : memref<8x128xf32, #tpu.memory_space<vmem>>, vector<1x16xf32>,
      %swap3A_130 = vector.shape_cast %swap3A_129 : vector<1x16xf32> to vector<16xf32>
      %swap3A_131 = vector.shape_cast %broadcast_in_dim3A_0 : vector<16xf32> to vector<1x16xf32>
      tpu.vector_store %arg19[%swap3A, %swap3A_128], %swap3A_131 {strides = array<i32>} : memref<8x128xf32, #tpu.memory_space<vmem>>, vector<1x16xf32>,
      %swap3A_132 = arith.index_cast %scan3A_126 : i32 to index
      %swap3A_133 = arith.constant 16 : index
      %swap3A_134 = tpu.vector_load %arg19[%swap3A_132, %swap3A_133] {strides = array<i32>} : memref<8x128xf32, #tpu.memory_space<vmem>>, vector<1x16xf32>,
      %swap3A_135 = vector.shape_cast %swap3A_134 : vector<1x16xf32> to vector<16xf32>
      %swap3A_136 = vector.shape_cast %broadcast_in_dim3A_0 : vector<16xf32> to vector<1x16xf32>
      tpu.vector_store %arg19[%swap3A_132, %swap3A_133], %swap3A_136 {strides = array<i32>} : memref<8x128xf32, #tpu.memory_space<vmem>>, vector<1x16xf32>,
      %swap3A_137 = arith.index_cast %scan3A_126 : i32 to index
      %swap3A_138 = arith.constant 32 : index
      %swap3A_139 = tpu.vector_load %arg19[%swap3A_137, %swap3A_138] {strides = array<i32>} : memref<8x128xf32, #tpu.memory_space<vmem>>, vector<1x16xf32>,
      %swap3A_140 = vector.shape_cast %swap3A_139 : vector<1x16xf32> to vector<16xf32>
      %swap3A_141 = vector.shape_cast %broadcast_in_dim3A_0 : vector<16xf32> to vector<1x16xf32>
      tpu.vector_store %arg19[%swap3A_137, %swap3A_138], %swap3A_141 {strides = array<i32>} : memref<8x128xf32, #tpu.memory_space<vmem>>, vector<1x16xf32>,
      %swap3A_142 = arith.index_cast %scan3A_126 : i32 to index
      %swap3A_143 = arith.constant 48 : index
      %swap3A_144 = tpu.vector_load %arg19[%swap3A_142, %swap3A_143] {strides = array<i32>} : memref<8x128xf32, #tpu.memory_space<vmem>>, vector<1x16xf32>,
      %swap3A_145 = vector.shape_cast %swap3A_144 : vector<1x16xf32> to vector<16xf32>
      %swap3A_146 = vector.shape_cast %broadcast_in_dim3A_0 : vector<16xf32> to vector<1x16xf32>
      tpu.vector_store %arg19[%swap3A_142, %swap3A_143], %swap3A_146 {strides = array<i32>} : memref<8x128xf32, #tpu.memory_space<vmem>>, vector<1x16xf32>,
      %swap3A_147 = arith.index_cast %scan3A_126 : i32 to index
      %swap3A_148 = arith.constant 64 : index
      %swap3A_149 = tpu.vector_load %arg19[%swap3A_147, %swap3A_148] {strides = array<i32>} : memref<8x128xf32, #tpu.memory_space<vmem>>, vector<1x16xf32>,
      %swap3A_150 = vector.shape_cast %swap3A_149 : vector<1x16xf32> to vector<16xf32>
      %swap3A_151 = vector.shape_cast %broadcast_in_dim3A_0 : vector<16xf32> to vector<1x16xf32>
      tpu.vector_store %arg19[%swap3A_147, %swap3A_148], %swap3A_151 {strides = array<i32>} : memref<8x128xf32, #tpu.memory_space<vmem>>, vector<1x16xf32>,
      %swap3A_152 = arith.index_cast %scan3A_126 : i32 to index
      %swap3A_153 = arith.constant 80 : index
      %swap3A_154 = tpu.vector_load %arg19[%swap3A_152, %swap3A_153] {strides = array<i32>} : memref<8x128xf32, #tpu.memory_space<vmem>>, vector<1x16xf32>,
      %swap3A_155 = vector.shape_cast %swap3A_154 : vector<1x16xf32> to vector<16xf32>
      %swap3A_156 = vector.shape_cast %broadcast_in_dim3A_0 : vector<16xf32> to vector<1x16xf32>
      tpu.vector_store %arg19[%swap3A_152, %swap3A_153], %swap3A_156 {strides = array<i32>} : memref<8x128xf32, #tpu.memory_space<vmem>>, vector<1x16xf32>,
      %swap3A_157 = arith.index_cast %scan3A_126 : i32 to index
      %swap3A_158 = arith.constant 96 : index
      %swap3A_159 = tpu.vector_load %arg19[%swap3A_157, %swap3A_158] {strides = array<i32>} : memref<8x128xf32, #tpu.memory_space<vmem>>, vector<1x16xf32>,
      %swap3A_160 = vector.shape_cast %swap3A_159 : vector<1x16xf32> to vector<16xf32>
      %swap3A_161 = vector.shape_cast %broadcast_in_dim3A_0 : vector<16xf32> to vector<1x16xf32>
      tpu.vector_store %arg19[%swap3A_157, %swap3A_158], %swap3A_161 {strides = array<i32>} : memref<8x128xf32, #tpu.memory_space<vmem>>, vector<1x16xf32>,
      %swap3A_162 = arith.index_cast %scan3A_126 : i32 to index
      %swap3A_163 = arith.constant 112 : index
      %swap3A_164 = tpu.vector_load %arg19[%swap3A_162, %swap3A_163] {strides = array<i32>} : memref<8x128xf32, #tpu.memory_space<vmem>>, vector<1x16xf32>,
      %swap3A_165 = vector.shape_cast %swap3A_164 : vector<1x16xf32> to vector<16xf32>
      %swap3A_166 = vector.shape_cast %broadcast_in_dim3A_0 : vector<16xf32> to vector<1x16xf32>
      tpu.vector_store %arg19[%swap3A_162, %swap3A_163], %swap3A_166 {strides = array<i32>} : memref<8x128xf32, #tpu.memory_space<vmem>>, vector<1x16xf32>,
      %scan3A_167 = arith.constant 0 : i32
      scf.yield %scan3A_167 : i32
    }
    %scan3A_6 = arith.constant 8 : i32
    %mul3A = arith.constant 16 : i32
    %mul3A_7 = arith.muli %arg0, %mul3A : i32
    %add3A = arith.addi %mul3A_7, %arg1 : i32
    %sub3A = arith.constant 5000 : i32
    %sub3A_8 = arith.subi %sub3A, %add3A : i32
    %add3A_9 = arith.constant 32 : i32
    %add3A_10 = arith.addi %sub3A_8, %add3A_9 : i32
    %sub3A_11 = arith.constant 1 : i32
    %sub3A_12 = arith.subi %add3A_10, %sub3A_11 : i32
    %jit3A = arith.constant 32 : i32
    %div3A = arith.divsi %sub3A_12, %jit3A : i32
    %sign3A = arith.constant 0 : i32
    %sign3A_13 = arith.cmpi sgt, %sub3A_12, %sign3A : i32
    %sign3A_14 = arith.extui %sign3A_13 : i1 to i32
    %sign3A_15 = arith.constant 0 : i32
    %sign3A_16 = arith.cmpi slt, %sub3A_12, %sign3A_15 : i32
    %sign3A_17 = arith.extui %sign3A_16 : i1 to i32
    %sign3A_18 = arith.subi %sign3A_14, %sign3A_17 : i32
    %sign3A_19 = arith.constant 0 : i32
    %sign3A_20 = arith.cmpi sgt, %jit3A, %sign3A_19 : i32
    %sign3A_21 = arith.extui %sign3A_20 : i1 to i32
    %sign3A_22 = arith.constant 0 : i32
    %sign3A_23 = arith.cmpi slt, %jit3A, %sign3A_22 : i32
    %sign3A_24 = arith.extui %sign3A_23 : i1 to i32
    %sign3A_25 = arith.subi %sign3A_21, %sign3A_24 : i32
    %ne3A = arith.cmpi ne, %sign3A_18, %sign3A_25 : i32
    %rem3A = arith.remsi %sub3A_12, %jit3A : i32
    %ne3A_26 = arith.constant 0 : i32
    %ne3A_27 = arith.cmpi ne, %rem3A, %ne3A_26 : i32
    %and3A = arith.andi %ne3A, %ne3A_27 : i1
    %sub3A_28 = arith.constant 1 : i32
    %sub3A_29 = arith.subi %div3A, %sub3A_28 : i32
    %select_n3A = arith.select %and3A, %sub3A_29, %div3A : i32
    %add3A_30 = arith.constant 0 : i32
    %add3A_31 = arith.addi %add3A, %add3A_30 : i32
    %mul3A_32 = arith.constant 64 : i32
    %mul3A_33 = arith.muli %add3A_31, %mul3A_32 : i32
    %dma_start3A = arith.constant 0 : i32
    %dma_start3A_34 = tpu.memref_slice %arg2[%dma_start3A, %mul3A_33] : memref<2x320000xi32, #tpu.memory_space<hbm>> -> memref<1x64xi32, #tpu.memory_space<hbm>>
    %dma_start3A_35 = tpu.memref_squeeze %dma_start3A_34 : memref<1x64xi32, #tpu.memory_space<hbm>> -> memref<64xi32, #tpu.memory_space<hbm>>
    %dma_start3A_36 = tpu.memref_slice %arg2[%dma_start3A, %mul3A_33] : memref<2x320000xi32, #tpu.memory_space<hbm>> -> memref<1x64xi32, #tpu.memory_space<hbm>>
    %dma_start3A_37 = tpu.memref_squeeze %dma_start3A_36 : memref<1x64xi32, #tpu.memory_space<hbm>> -> memref<64xi32, #tpu.memory_space<hbm>>
    tpu.enqueue_dma source(%dma_start3A_37 : memref<64xi32, #tpu.memory_space<hbm>>) target(%arg7 : memref<64xi32, #tpu.memory_space<vmem>>) target_semaphore(%arg20 : memref<!tpu.dma_semaphore, #tpu.memory_space<semaphore_mem>>)
    %dma_start3A_38 = arith.constant 1 : i32
    %dma_start3A_39 = tpu.memref_slice %arg2[%dma_start3A_38, %mul3A_33] : memref<2x320000xi32, #tpu.memory_space<hbm>> -> memref<1x64xi32, #tpu.memory_space<hbm>>
    %dma_start3A_40 = tpu.memref_squeeze %dma_start3A_39 : memref<1x64xi32, #tpu.memory_space<hbm>> -> memref<64xi32, #tpu.memory_space<hbm>>
    %dma_start3A_41 = tpu.memref_slice %arg2[%dma_start3A_38, %mul3A_33] : memref<2x320000xi32, #tpu.memory_space<hbm>> -> memref<1x64xi32, #tpu.memory_space<hbm>>
    %dma_start3A_42 = tpu.memref_squeeze %dma_start3A_41 : memref<1x64xi32, #tpu.memory_space<hbm>> -> memref<64xi32, #tpu.memory_space<hbm>>
    tpu.enqueue_dma source(%dma_start3A_42 : memref<64xi32, #tpu.memory_space<hbm>>) target(%arg8 : memref<64xi32, #tpu.memory_space<vmem>>) target_semaphore(%arg20 : memref<!tpu.dma_semaphore, #tpu.memory_space<semaphore_mem>>)
    %dma_start3A_43 = arith.constant 0 : i32
    %dma_start3A_44 = tpu.memref_slice %arg3[%mul3A_33, %dma_start3A_43] : memref<320000x128xf32, #tpu.memory_space<hbm>> -> memref<64x128xf32, #tpu.memory_space<hbm>>
    %dma_start3A_45 = arith.constant 0 : i32
    %dma_start3A_46 = tpu.memref_slice %arg3[%mul3A_33, %dma_start3A_45] : memref<320000x128xf32, #tpu.memory_space<hbm>> -> memref<64x128xf32, #tpu.memory_space<hbm>>
    tpu.enqueue_dma source(%dma_start3A_46 : memref<64x128xf32, #tpu.memory_space<hbm>>) target(%arg10 : memref<64x128xf32, #tpu.memory_space<vmem>>) target_semaphore(%arg25 : memref<!tpu.dma_semaphore, #tpu.memory_space<semaphore_mem>>)
    %add3A_47 = arith.constant 0 : i32
    %add3A_48 = arith.addi %add3A, %add3A_47 : i32
    %mul3A_49 = arith.constant 64 : i32
    %mul3A_50 = arith.muli %add3A_48, %mul3A_49 : i32
    %dma_wait3A = arith.constant 0 : i32
    %dma_wait3A_51 = tpu.memref_slice %arg2[%dma_wait3A, %mul3A_50] : memref<2x320000xi32, #tpu.memory_space<hbm>> -> memref<1x64xi32, #tpu.memory_space<hbm>>
    %dma_wait3A_52 = tpu.memref_squeeze %dma_wait3A_51 : memref<1x64xi32, #tpu.memory_space<hbm>> -> memref<64xi32, #tpu.memory_space<hbm>>
    %dma_wait3A_53 = tpu.memref_slice %arg2[%dma_wait3A, %mul3A_50] : memref<2x320000xi32, #tpu.memory_space<hbm>> -> memref<1x64xi32, #tpu.memory_space<hbm>>
    %dma_wait3A_54 = tpu.memref_squeeze %dma_wait3A_53 : memref<1x64xi32, #tpu.memory_space<hbm>> -> memref<64xi32, #tpu.memory_space<hbm>>
    tpu.wait_dma2 semaphore(%arg20 : memref<!tpu.dma_semaphore, #tpu.memory_space<semaphore_mem>>) src(%dma_wait3A_54 : memref<64xi32, #tpu.memory_space<hbm>>) dst(%arg7 : memref<64xi32, #tpu.memory_space<vmem>>)
    %dma_wait3A_55 = arith.constant 1 : i32
    %dma_wait3A_56 = tpu.memref_slice %arg2[%dma_wait3A_55, %mul3A_50] : memref<2x320000xi32, #tpu.memory_space<hbm>> -> memref<1x64xi32, #tpu.memory_space<hbm>>
    %dma_wait3A_57 = tpu.memref_squeeze %dma_wait3A_56 : memref<1x64xi32, #tpu.memory_space<hbm>> -> memref<64xi32, #tpu.memory_space<hbm>>
    %dma_wait3A_58 = tpu.memref_slice %arg2[%dma_wait3A_55, %mul3A_50] : memref<2x320000xi32, #tpu.memory_space<hbm>> -> memref<1x64xi32, #tpu.memory_space<hbm>>
    %dma_wait3A_59 = tpu.memref_squeeze %dma_wait3A_58 : memref<1x64xi32, #tpu.memory_space<hbm>> -> memref<64xi32, #tpu.memory_space<hbm>>
    tpu.wait_dma2 semaphore(%arg20 : memref<!tpu.dma_semaphore, #tpu.memory_space<semaphore_mem>>) src(%dma_wait3A_59 : memref<64xi32, #tpu.memory_space<hbm>>) dst(%arg8 : memref<64xi32, #tpu.memory_space<vmem>>)
    %dma_start3A_60 = arith.constant 0 : i32
    %dma_start3A_61 = arith.constant 0 : i32
    %dma_start3A_62 = tpu.memref_slice %arg4[%dma_start3A_60, %dma_start3A_61] : memref<10000x128xf32, #tpu.memory_space<hbm>> -> memref<10000x128xf32, #tpu.memory_space<hbm>>
    tpu.enqueue_indirect_dma source(%dma_start3A_62 : memref<10000x128xf32, #tpu.memory_space<hbm>>) target(%arg9 : memref<64x128xf32, #tpu.memory_space<vmem>>) offsets(%arg8 : memref<64xi32, #tpu.memory_space<vmem>>) semaphore(%arg22 : memref<!tpu.dma_semaphore, #tpu.memory_space<semaphore_mem>>)
    %add3A_63 = arith.constant 32 : i32
    %add3A_64 = arith.addi %add3A, %add3A_63 : i32
    %mul3A_65 = arith.constant 64 : i32
    %mul3A_66 = arith.muli %add3A_64, %mul3A_65 : i32
    %dma_start3A_67 = arith.constant 0 : i32
    %dma_start3A_68 = tpu.memref_slice %arg2[%dma_start3A_67, %mul3A_66] : memref<2x320000xi32, #tpu.memory_space<hbm>> -> memref<1x64xi32, #tpu.memory_space<hbm>>
    %dma_start3A_69 = tpu.memref_squeeze %dma_start3A_68 : memref<1x64xi32, #tpu.memory_space<hbm>> -> memref<64xi32, #tpu.memory_space<hbm>>
    %dma_start3A_70 = tpu.memref_slice %arg2[%dma_start3A_67, %mul3A_66] : memref<2x320000xi32, #tpu.memory_space<hbm>> -> memref<1x64xi32, #tpu.memory_space<hbm>>
    %dma_start3A_71 = tpu.memref_squeeze %dma_start3A_70 : memref<1x64xi32, #tpu.memory_space<hbm>> -> memref<64xi32, #tpu.memory_space<hbm>>
    tpu.enqueue_dma source(%dma_start3A_71 : memref<64xi32, #tpu.memory_space<hbm>>) target(%arg11 : memref<64xi32, #tpu.memory_space<vmem>>) target_semaphore(%arg20 : memref<!tpu.dma_semaphore, #tpu.memory_space<semaphore_mem>>)
    %dma_start3A_72 = arith.constant 1 : i32
    %dma_start3A_73 = tpu.memref_slice %arg2[%dma_start3A_72, %mul3A_66] : memref<2x320000xi32, #tpu.memory_space<hbm>> -> memref<1x64xi32, #tpu.memory_space<hbm>>
    %dma_start3A_74 = tpu.memref_squeeze %dma_start3A_73 : memref<1x64xi32, #tpu.memory_space<hbm>> -> memref<64xi32, #tpu.memory_space<hbm>>
    %dma_start3A_75 = tpu.memref_slice %arg2[%dma_start3A_72, %mul3A_66] : memref<2x320000xi32, #tpu.memory_space<hbm>> -> memref<1x64xi32, #tpu.memory_space<hbm>>
    %dma_start3A_76 = tpu.memref_squeeze %dma_start3A_75 : memref<1x64xi32, #tpu.memory_space<hbm>> -> memref<64xi32, #tpu.memory_space<hbm>>
    tpu.enqueue_dma source(%dma_start3A_76 : memref<64xi32, #tpu.memory_space<hbm>>) target(%arg12 : memref<64xi32, #tpu.memory_space<vmem>>) target_semaphore(%arg20 : memref<!tpu.dma_semaphore, #tpu.memory_space<semaphore_mem>>)
    %dma_start3A_77 = arith.constant 0 : i32
    %dma_start3A_78 = tpu.memref_slice %arg3[%mul3A_66, %dma_start3A_77] : memref<320000x128xf32, #tpu.memory_space<hbm>> -> memref<64x128xf32, #tpu.memory_space<hbm>>
    %dma_start3A_79 = arith.constant 0 : i32
    %dma_start3A_80 = tpu.memref_slice %arg3[%mul3A_66, %dma_start3A_79] : memref<320000x128xf32, #tpu.memory_space<hbm>> -> memref<64x128xf32, #tpu.memory_space<hbm>>
    tpu.enqueue_dma source(%dma_start3A_80 : memref<64x128xf32, #tpu.memory_space<hbm>>) target(%arg14 : memref<64x128xf32, #tpu.memory_space<vmem>>) target_semaphore(%arg26 : memref<!tpu.dma_semaphore, #tpu.memory_space<semaphore_mem>>)
    %add3A_81 = arith.constant 32 : i32
    %add3A_82 = arith.addi %add3A, %add3A_81 : i32
    %mul3A_83 = arith.constant 64 : i32
    %mul3A_84 = arith.muli %add3A_82, %mul3A_83 : i32
    %dma_wait3A_85 = arith.constant 0 : i32
    %dma_wait3A_86 = tpu.memref_slice %arg2[%dma_wait3A_85, %mul3A_84] : memref<2x320000xi32, #tpu.memory_space<hbm>> -> memref<1x64xi32, #tpu.memory_space<hbm>>
    %dma_wait3A_87 = tpu.memref_squeeze %dma_wait3A_86 : memref<1x64xi32, #tpu.memory_space<hbm>> -> memref<64xi32, #tpu.memory_space<hbm>>
    %dma_wait3A_88 = tpu.memref_slice %arg2[%dma_wait3A_85, %mul3A_84] : memref<2x320000xi32, #tpu.memory_space<hbm>> -> memref<1x64xi32, #tpu.memory_space<hbm>>
    %dma_wait3A_89 = tpu.memref_squeeze %dma_wait3A_88 : memref<1x64xi32, #tpu.memory_space<hbm>> -> memref<64xi32, #tpu.memory_space<hbm>>
    tpu.wait_dma2 semaphore(%arg20 : memref<!tpu.dma_semaphore, #tpu.memory_space<semaphore_mem>>) src(%dma_wait3A_89 : memref<64xi32, #tpu.memory_space<hbm>>) dst(%arg11 : memref<64xi32, #tpu.memory_space<vmem>>)
    %dma_wait3A_90 = arith.constant 1 : i32
    %dma_wait3A_91 = tpu.memref_slice %arg2[%dma_wait3A_90, %mul3A_84] : memref<2x320000xi32, #tpu.memory_space<hbm>> -> memref<1x64xi32, #tpu.memory_space<hbm>>
    %dma_wait3A_92 = tpu.memref_squeeze %dma_wait3A_91 : memref<1x64xi32, #tpu.memory_space<hbm>> -> memref<64xi32, #tpu.memory_space<hbm>>
    %dma_wait3A_93 = tpu.memref_slice %arg2[%dma_wait3A_90, %mul3A_84] : memref<2x320000xi32, #tpu.memory_space<hbm>> -> memref<1x64xi32, #tpu.memory_space<hbm>>
    %dma_wait3A_94 = tpu.memref_squeeze %dma_wait3A_93 : memref<1x64xi32, #tpu.memory_space<hbm>> -> memref<64xi32, #tpu.memory_space<hbm>>
    tpu.wait_dma2 semaphore(%arg20 : memref<!tpu.dma_semaphore, #tpu.memory_space<semaphore_mem>>) src(%dma_wait3A_94 : memref<64xi32, #tpu.memory_space<hbm>>) dst(%arg12 : memref<64xi32, #tpu.memory_space<vmem>>)
    %dma_start3A_95 = arith.constant 0 : i32
    %dma_start3A_96 = arith.constant 0 : i32
    %dma_start3A_97 = tpu.memref_slice %arg4[%dma_start3A_95, %dma_start3A_96] : memref<10000x128xf32, #tpu.memory_space<hbm>> -> memref<10000x128xf32, #tpu.memory_space<hbm>>
    tpu.enqueue_indirect_dma source(%dma_start3A_97 : memref<10000x128xf32, #tpu.memory_space<hbm>>) target(%arg13 : memref<64x128xf32, #tpu.memory_space<vmem>>) offsets(%arg12 : memref<64xi32, #tpu.memory_space<vmem>>) semaphore(%arg23 : memref<!tpu.dma_semaphore, #tpu.memory_space<semaphore_mem>>)
    %scan3A_98 = arith.constant 0 : i32
    %scan3A_99 = arith.constant 0 : i32
    %scan3A_100 = arith.constant 79 : i32
    %scan3A_101 = arith.addi %scan3A_99, %scan3A_100 : i32
    %scan3A_102 = arith.constant 1 : i32
    %scan3A_103 = scf.for %scan3A_126 = %scan3A_99 to %scan3A_101 step %scan3A_102 iter_args(%scan3A_127 = %scan3A_98) -> (i32)  : i32 {
      %mul3A_128 = arith.constant 16 : i32
      %mul3A_129 = arith.muli %scan3A_126, %mul3A_128 : i32
      %add3A_130 = arith.addi %arg1, %mul3A_129 : i32
      %lt3A = arith.constant 1250 : i32
      %lt3A_131 = arith.cmpi slt, %add3A_130, %lt3A : i32
      %convert_element_type3A_132 = arith.extui %lt3A_131 : i1 to i32
      %cond3A_133 = arith.constant 0 : i32
      %cond3A_134 = arith.cmpi ne, %convert_element_type3A_132, %cond3A_133 : i32
      scf.if %cond3A_134 {
        %mul3A_136 = arith.constant 8 : i32
        %mul3A_137 = arith.muli %add3A_130, %mul3A_136 : i32
        %dma_start3A_138 = arith.constant 0 : i32
        %dma_start3A_139 = tpu.memref_slice %arg6[%mul3A_137, %dma_start3A_138] : memref<10000x128xf32, #tpu.memory_space<vmem_shared>> -> memref<8x128xf32, #tpu.memory_space<vmem_shared>>
        %dma_start3A_140 = arith.constant 0 : i32
        %dma_start3A_141 = tpu.memref_slice %arg6[%mul3A_137, %dma_start3A_140] : memref<10000x128xf32, #tpu.memory_space<vmem_shared>> -> memref<8x128xf32, #tpu.memory_space<vmem_shared>>
        tpu.enqueue_dma source(%arg19 : memref<8x128xf32, #tpu.memory_space<vmem>>) target(%dma_start3A_141 : memref<8x128xf32, #tpu.memory_space<vmem_shared>>) target_semaphore(%arg20 : memref<!tpu.dma_semaphore, #tpu.memory_space<semaphore_mem>>)
      } else {
      }
      %scan3A_135 = arith.constant 0 : i32
      scf.yield %scan3A_135 : i32
    }
    %scan3A_104 = arith.constant 79 : i32
    %scan3A_105 = arith.constant 0 : i32
    %scan3A_106 = arith.constant 0 : i32
    %scan3A_107 = arith.constant 79 : i32
    %scan3A_108 = arith.addi %scan3A_106, %scan3A_107 : i32
    %scan3A_109 = arith.constant 1 : i32
    %scan3A_110 = scf.for %scan3A_126 = %scan3A_106 to %scan3A_108 step %scan3A_109 iter_args(%scan3A_127 = %scan3A_105) -> (i32)  : i32 {
      %mul3A_128 = arith.constant 16 : i32
      %mul3A_129 = arith.muli %scan3A_126, %mul3A_128 : i32
      %add3A_130 = arith.addi %arg1, %mul3A_129 : i32
      %lt3A = arith.constant 1250 : i32
      %lt3A_131 = arith.cmpi slt, %add3A_130, %lt3A : i32
      %convert_element_type3A_132 = arith.extui %lt3A_131 : i1 to i32
      %cond3A_133 = arith.constant 0 : i32
      %cond3A_134 = arith.cmpi ne, %convert_element_type3A_132, %cond3A_133 : i32
      scf.if %cond3A_134 {
        %mul3A_136 = arith.constant 8 : i32
        %mul3A_137 = arith.muli %add3A_130, %mul3A_136 : i32
        %dma_wait3A_138 = arith.constant 0 : i32
        %dma_wait3A_139 = tpu.memref_slice %arg6[%mul3A_137, %dma_wait3A_138] : memref<10000x128xf32, #tpu.memory_space<vmem_shared>> -> memref<8x128xf32, #tpu.memory_space<vmem_shared>>
        %dma_wait3A_140 = arith.constant 0 : i32
        %dma_wait3A_141 = tpu.memref_slice %arg6[%mul3A_137, %dma_wait3A_140] : memref<10000x128xf32, #tpu.memory_space<vmem_shared>> -> memref<8x128xf32, #tpu.memory_space<vmem_shared>>
        tpu.wait_dma2 semaphore(%arg20 : memref<!tpu.dma_semaphore, #tpu.memory_space<semaphore_mem>>) src(%arg19 : memref<8x128xf32, #tpu.memory_space<vmem>>) dst(%dma_wait3A_141 : memref<8x128xf32, #tpu.memory_space<vmem_shared>>)
      } else {
      }
      %scan3A_135 = arith.constant 0 : i32
      scf.yield %scan3A_135 : i32
    }
    %scan3A_111 = arith.constant 79 : i32
    %barrier3A = arith.constant 0 : index
    tpu.barrier barrier_id(%barrier3A)
    %scan3A_112 = arith.constant 0 : i32
    %scan3A_113 = arith.constant 0 : i32
    %scan3A_114 = arith.constant 54 : i32
    %scan3A_115 = arith.addi %scan3A_113, %scan3A_114 : i32
    %scan3A_116 = arith.constant 1 : i32
    %scan3A_117 = scf.for %scan3A_126 = %scan3A_113 to %scan3A_115 step %scan3A_116 iter_args(%scan3A_127 = %scan3A_112) -> (i32)  : i32 {
      %mul3A_128 = arith.constant 3 : i32
      %mul3A_129 = arith.muli %scan3A_126, %mul3A_128 : i32
      %add3A_130 = arith.constant 0 : i32
      %add3A_131 = arith.addi %mul3A_129, %add3A_130 : i32
      %ge3A = arith.constant 1 : i32
      %ge3A_132 = arith.cmpi sge, %add3A_131, %ge3A : i32
      %le3A = arith.cmpi sle, %add3A_131, %select_n3A : i32
      %and3A_133 = arith.andi %ge3A_132, %le3A : i1
      %convert_element_type3A_134 = arith.extui %and3A_133 : i1 to i32
      %cond3A_135 = arith.constant 0 : i32
      %cond3A_136 = arith.cmpi ne, %convert_element_type3A_134, %cond3A_135 : i32
      scf.if %cond3A_136 {
        %dma_wait3A_167 = arith.constant 0 : i32
        %dma_wait3A_168 = arith.constant 0 : i32
        %dma_wait3A_169 = tpu.memref_slice %arg6[%dma_wait3A_167, %dma_wait3A_168] : memref<10000x128xf32, #tpu.memory_space<vmem_shared>> -> memref<10000x128xf32, #tpu.memory_space<vmem_shared>>
        tpu.wait_indirect_dma semaphore(%arg21 : memref<!tpu.dma_semaphore, #tpu.memory_space<semaphore_mem>>) src(%arg18 : memref<64x128xf32, #tpu.memory_space<vmem>>) dst(%dma_wait3A_169 : memref<10000x128xf32, #tpu.memory_space<vmem_shared>>)
      } else {
      }
      %lt3A = arith.cmpi slt, %add3A_131, %select_n3A : i32
      %convert_element_type3A_137 = arith.extui %lt3A : i1 to i32
      %cond3A_138 = arith.constant 0 : i32
      %cond3A_139 = arith.cmpi ne, %convert_element_type3A_137, %cond3A_138 : i32
      scf.if %cond3A_139 {
        %dma_wait3A_167 = arith.constant 0 : i32
        %dma_wait3A_168 = arith.constant 0 : i32
        %dma_wait3A_169 = tpu.memref_slice %arg4[%dma_wait3A_167, %dma_wait3A_168] : memref<10000x128xf32, #tpu.memory_space<hbm>> -> memref<10000x128xf32, #tpu.memory_space<hbm>>
        tpu.wait_indirect_dma semaphore(%arg22 : memref<!tpu.dma_semaphore, #tpu.memory_space<semaphore_mem>>) src(%dma_wait3A_169 : memref<10000x128xf32, #tpu.memory_space<hbm>>) dst(%arg9 : memref<64x128xf32, #tpu.memory_space<vmem>>)
        %add3A_170 = arith.constant 2 : i32
        %add3A_171 = arith.addi %add3A_131, %add3A_170 : i32
        %lt3A_172 = arith.cmpi slt, %add3A_171, %select_n3A : i32
        %convert_element_type3A_173 = arith.extui %lt3A_172 : i1 to i32
        %cond3A_174 = arith.constant 0 : i32
        %cond3A_175 = arith.cmpi ne, %convert_element_type3A_173, %cond3A_174 : i32
        scf.if %cond3A_175 {
          %add3A_201 = arith.constant 2 : i32
          %add3A_202 = arith.addi %add3A_131, %add3A_201 : i32
          %mul3A_203 = arith.constant 32 : i32
          %mul3A_204 = arith.muli %add3A_202, %mul3A_203 : i32
          %add3A_205 = arith.addi %add3A, %mul3A_204 : i32
          %mul3A_206 = arith.constant 64 : i32
          %mul3A_207 = arith.muli %add3A_205, %mul3A_206 : i32
          %dma_start3A_208 = arith.constant 0 : i32
          %dma_start3A_209 = tpu.memref_slice %arg2[%dma_start3A_208, %mul3A_207] : memref<2x320000xi32, #tpu.memory_space<hbm>> -> memref<1x64xi32, #tpu.memory_space<hbm>>
          %dma_start3A_210 = tpu.memref_squeeze %dma_start3A_209 : memref<1x64xi32, #tpu.memory_space<hbm>> -> memref<64xi32, #tpu.memory_space<hbm>>
          %dma_start3A_211 = tpu.memref_slice %arg2[%dma_start3A_208, %mul3A_207] : memref<2x320000xi32, #tpu.memory_space<hbm>> -> memref<1x64xi32, #tpu.memory_space<hbm>>
          %dma_start3A_212 = tpu.memref_squeeze %dma_start3A_211 : memref<1x64xi32, #tpu.memory_space<hbm>> -> memref<64xi32, #tpu.memory_space<hbm>>
          tpu.enqueue_dma source(%dma_start3A_212 : memref<64xi32, #tpu.memory_space<hbm>>) target(%arg15 : memref<64xi32, #tpu.memory_space<vmem>>) target_semaphore(%arg20 : memref<!tpu.dma_semaphore, #tpu.memory_space<semaphore_mem>>)
          %dma_start3A_213 = arith.constant 1 : i32
          %dma_start3A_214 = tpu.memref_slice %arg2[%dma_start3A_213, %mul3A_207] : memref<2x320000xi32, #tpu.memory_space<hbm>> -> memref<1x64xi32, #tpu.memory_space<hbm>>
          %dma_start3A_215 = tpu.memref_squeeze %dma_start3A_214 : memref<1x64xi32, #tpu.memory_space<hbm>> -> memref<64xi32, #tpu.memory_space<hbm>>
          %dma_start3A_216 = tpu.memref_slice %arg2[%dma_start3A_213, %mul3A_207] : memref<2x320000xi32, #tpu.memory_space<hbm>> -> memref<1x64xi32, #tpu.memory_space<hbm>>
          %dma_start3A_217 = tpu.memref_squeeze %dma_start3A_216 : memref<1x64xi32, #tpu.memory_space<hbm>> -> memref<64xi32, #tpu.memory_space<hbm>>
          tpu.enqueue_dma source(%dma_start3A_217 : memref<64xi32, #tpu.memory_space<hbm>>) target(%arg16 : memref<64xi32, #tpu.memory_space<vmem>>) target_semaphore(%arg20 : memref<!tpu.dma_semaphore, #tpu.memory_space<semaphore_mem>>)
          %dma_start3A_218 = arith.constant 0 : i32
          %dma_start3A_219 = tpu.memref_slice %arg3[%mul3A_207, %dma_start3A_218] : memref<320000x128xf32, #tpu.memory_space<hbm>> -> memref<64x128xf32, #tpu.memory_space<hbm>>
          %dma_start3A_220 = arith.constant 0 : i32
          %dma_start3A_221 = tpu.memref_slice %arg3[%mul3A_207, %dma_start3A_220] : memref<320000x128xf32, #tpu.memory_space<hbm>> -> memref<64x128xf32, #tpu.memory_space<hbm>>
          tpu.enqueue_dma source(%dma_start3A_221 : memref<64x128xf32, #tpu.memory_space<hbm>>) target(%arg18 : memref<64x128xf32, #tpu.memory_space<vmem>>) target_semaphore(%arg27 : memref<!tpu.dma_semaphore, #tpu.memory_space<semaphore_mem>>)
        } else {
        }
        %mul3A_176 = arith.constant 32 : i32
        %mul3A_177 = arith.muli %add3A_131, %mul3A_176 : i32
        %add3A_178 = arith.addi %add3A, %mul3A_177 : i32
        %mul3A_179 = arith.constant 64 : i32
        %mul3A_180 = arith.muli %add3A_178, %mul3A_179 : i32
        %dma_wait3A_181 = arith.constant 0 : i32
        %dma_wait3A_182 = tpu.memref_slice %arg3[%mul3A_180, %dma_wait3A_181] : memref<320000x128xf32, #tpu.memory_space<hbm>> -> memref<64x128xf32, #tpu.memory_space<hbm>>
        %dma_wait3A_183 = arith.constant 0 : i32
        %dma_wait3A_184 = tpu.memref_slice %arg3[%mul3A_180, %dma_wait3A_183] : memref<320000x128xf32, #tpu.memory_space<hbm>> -> memref<64x128xf32, #tpu.memory_space<hbm>>
        tpu.wait_dma2 semaphore(%arg25 : memref<!tpu.dma_semaphore, #tpu.memory_space<semaphore_mem>>) src(%dma_wait3A_184 : memref<64x128xf32, #tpu.memory_space<hbm>>) dst(%arg10 : memref<64x128xf32, #tpu.memory_space<vmem>>)
        %scan3A_185 = arith.constant 0 : i32
        %scan3A_186 = arith.constant 0 : i32
        %scan3A_187 = arith.constant 64 : i32
        %scan3A_188 = arith.addi %scan3A_186, %scan3A_187 : i32
        %scan3A_189 = arith.constant 1 : i32
        %scan3A_190 = scf.for %scan3A_201 = %scan3A_186 to %scan3A_188 step %scan3A_189 iter_args(%scan3A_202 = %scan3A_185) -> (i32)  : i32 {
          %get3A = arith.index_cast %scan3A_201 : i32 to index
          %get3A_203 = arith.constant 0 : index
          %get3A_204 = tpu.vector_load %arg10[%get3A, %get3A_203] {strides = array<i32>} : memref<64x128xf32, #tpu.memory_space<vmem>>, vector<1x16xf32>,
          %get3A_205 = vector.shape_cast %get3A_204 : vector<1x16xf32> to vector<16xf32>
          %get3A_206 = arith.index_cast %scan3A_201 : i32 to index
          %get3A_207 = arith.constant 0 : index
          %get3A_208 = tpu.vector_load %arg9[%get3A_206, %get3A_207] {strides = array<i32>} : memref<64x128xf32, #tpu.memory_space<vmem>>, vector<1x16xf32>,
          %get3A_209 = vector.shape_cast %get3A_208 : vector<1x16xf32> to vector<16xf32>
          %mul3A_210 = arith.mulf %get3A_205, %get3A_209 : vector<16xf32>
          %swap3A = arith.index_cast %scan3A_201 : i32 to index
          %swap3A_211 = arith.constant 0 : index
          %swap3A_212 = tpu.vector_load %arg10[%swap3A, %swap3A_211] {strides = array<i32>} : memref<64x128xf32, #tpu.memory_space<vmem>>, vector<1x16xf32>,
          %swap3A_213 = vector.shape_cast %swap3A_212 : vector<1x16xf32> to vector<16xf32>
          %swap3A_214 = vector.shape_cast %mul3A_210 : vector<16xf32> to vector<1x16xf32>
          tpu.vector_store %arg10[%swap3A, %swap3A_211], %swap3A_214 {strides = array<i32>} : memref<64x128xf32, #tpu.memory_space<vmem>>, vector<1x16xf32>,
          %get3A_215 = arith.index_cast %scan3A_201 : i32 to index
          %get3A_216 = arith.constant 16 : index
          %get3A_217 = tpu.vector_load %arg10[%get3A_215, %get3A_216] {strides = array<i32>} : memref<64x128xf32, #tpu.memory_space<vmem>>, vector<1x16xf32>,
          %get3A_218 = vector.shape_cast %get3A_217 : vector<1x16xf32> to vector<16xf32>
          %get3A_219 = arith.index_cast %scan3A_201 : i32 to index
          %get3A_220 = arith.constant 16 : index
          %get3A_221 = tpu.vector_load %arg9[%get3A_219, %get3A_220] {strides = array<i32>} : memref<64x128xf32, #tpu.memory_space<vmem>>, vector<1x16xf32>,
          %get3A_222 = vector.shape_cast %get3A_221 : vector<1x16xf32> to vector<16xf32>
          %mul3A_223 = arith.mulf %get3A_218, %get3A_222 : vector<16xf32>
          %swap3A_224 = arith.index_cast %scan3A_201 : i32 to index
          %swap3A_225 = arith.constant 16 : index
          %swap3A_226 = tpu.vector_load %arg10[%swap3A_224, %swap3A_225] {strides = array<i32>} : memref<64x128xf32, #tpu.memory_space<vmem>>, vector<1x16xf32>,
          %swap3A_227 = vector.shape_cast %swap3A_226 : vector<1x16xf32> to vector<16xf32>
          %swap3A_228 = vector.shape_cast %mul3A_223 : vector<16xf32> to vector<1x16xf32>
          tpu.vector_store %arg10[%swap3A_224, %swap3A_225], %swap3A_228 {strides = array<i32>} : memref<64x128xf32, #tpu.memory_space<vmem>>, vector<1x16xf32>,
          %get3A_229 = arith.index_cast %scan3A_201 : i32 to index
          %get3A_230 = arith.constant 32 : index
          %get3A_231 = tpu.vector_load %arg10[%get3A_229, %get3A_230] {strides = array<i32>} : memref<64x128xf32, #tpu.memory_space<vmem>>, vector<1x16xf32>,
          %get3A_232 = vector.shape_cast %get3A_231 : vector<1x16xf32> to vector<16xf32>
          %get3A_233 = arith.index_cast %scan3A_201 : i32 to index
          %get3A_234 = arith.constant 32 : index
          %get3A_235 = tpu.vector_load %arg9[%get3A_233, %get3A_234] {strides = array<i32>} : memref<64x128xf32, #tpu.memory_space<vmem>>, vector<1x16xf32>,
          %get3A_236 = vector.shape_cast %get3A_235 : vector<1x16xf32> to vector<16xf32>
          %mul3A_237 = arith.mulf %get3A_232, %get3A_236 : vector<16xf32>
          %swap3A_238 = arith.index_cast %scan3A_201 : i32 to index
          %swap3A_239 = arith.constant 32 : index
          %swap3A_240 = tpu.vector_load %arg10[%swap3A_238, %swap3A_239] {strides = array<i32>} : memref<64x128xf32, #tpu.memory_space<vmem>>, vector<1x16xf32>,
          %swap3A_241 = vector.shape_cast %swap3A_240 : vector<1x16xf32> to vector<16xf32>
          %swap3A_242 = vector.shape_cast %mul3A_237 : vector<16xf32> to vector<1x16xf32>
          tpu.vector_store %arg10[%swap3A_238, %swap3A_239], %swap3A_242 {strides = array<i32>} : memref<64x128xf32, #tpu.memory_space<vmem>>, vector<1x16xf32>,
          %get3A_243 = arith.index_cast %scan3A_201 : i32 to index
          %get3A_244 = arith.constant 48 : index
          %get3A_245 = tpu.vector_load %arg10[%get3A_243, %get3A_244] {strides = array<i32>} : memref<64x128xf32, #tpu.memory_space<vmem>>, vector<1x16xf32>,
          %get3A_246 = vector.shape_cast %get3A_245 : vector<1x16xf32> to vector<16xf32>
          %get3A_247 = arith.index_cast %scan3A_201 : i32 to index
          %get3A_248 = arith.constant 48 : index
          %get3A_249 = tpu.vector_load %arg9[%get3A_247, %get3A_248] {strides = array<i32>} : memref<64x128xf32, #tpu.memory_space<vmem>>, vector<1x16xf32>,
          %get3A_250 = vector.shape_cast %get3A_249 : vector<1x16xf32> to vector<16xf32>
          %mul3A_251 = arith.mulf %get3A_246, %get3A_250 : vector<16xf32>
          %swap3A_252 = arith.index_cast %scan3A_201 : i32 to index
          %swap3A_253 = arith.constant 48 : index
          %swap3A_254 = tpu.vector_load %arg10[%swap3A_252, %swap3A_253] {strides = array<i32>} : memref<64x128xf32, #tpu.memory_space<vmem>>, vector<1x16xf32>,
          %swap3A_255 = vector.shape_cast %swap3A_254 : vector<1x16xf32> to vector<16xf32>
          %swap3A_256 = vector.shape_cast %mul3A_251 : vector<16xf32> to vector<1x16xf32>
          tpu.vector_store %arg10[%swap3A_252, %swap3A_253], %swap3A_256 {strides = array<i32>} : memref<64x128xf32, #tpu.memory_space<vmem>>, vector<1x16xf32>,
          %get3A_257 = arith.index_cast %scan3A_201 : i32 to index
          %get3A_258 = arith.constant 64 : index
          %get3A_259 = tpu.vector_load %arg10[%get3A_257, %get3A_258] {strides = array<i32>} : memref<64x128xf32, #tpu.memory_space<vmem>>, vector<1x16xf32>,
          %get3A_260 = vector.shape_cast %get3A_259 : vector<1x16xf32> to vector<16xf32>
          %get3A_261 = arith.index_cast %scan3A_201 : i32 to index
          %get3A_262 = arith.constant 64 : index
          %get3A_263 = tpu.vector_load %arg9[%get3A_261, %get3A_262] {strides = array<i32>} : memref<64x128xf32, #tpu.memory_space<vmem>>, vector<1x16xf32>,
          %get3A_264 = vector.shape_cast %get3A_263 : vector<1x16xf32> to vector<16xf32>
          %mul3A_265 = arith.mulf %get3A_260, %get3A_264 : vector<16xf32>
          %swap3A_266 = arith.index_cast %scan3A_201 : i32 to index
          %swap3A_267 = arith.constant 64 : index
          %swap3A_268 = tpu.vector_load %arg10[%swap3A_266, %swap3A_267] {strides = array<i32>} : memref<64x128xf32, #tpu.memory_space<vmem>>, vector<1x16xf32>,
          %swap3A_269 = vector.shape_cast %swap3A_268 : vector<1x16xf32> to vector<16xf32>
          %swap3A_270 = vector.shape_cast %mul3A_265 : vector<16xf32> to vector<1x16xf32>
          tpu.vector_store %arg10[%swap3A_266, %swap3A_267], %swap3A_270 {strides = array<i32>} : memref<64x128xf32, #tpu.memory_space<vmem>>, vector<1x16xf32>,
          %get3A_271 = arith.index_cast %scan3A_201 : i32 to index
          %get3A_272 = arith.constant 80 : index
          %get3A_273 = tpu.vector_load %arg10[%get3A_271, %get3A_272] {strides = array<i32>} : memref<64x128xf32, #tpu.memory_space<vmem>>, vector<1x16xf32>,
          %get3A_274 = vector.shape_cast %get3A_273 : vector<1x16xf32> to vector<16xf32>
          %get3A_275 = arith.index_cast %scan3A_201 : i32 to index
          %get3A_276 = arith.constant 80 : index
          %get3A_277 = tpu.vector_load %arg9[%get3A_275, %get3A_276] {strides = array<i32>} : memref<64x128xf32, #tpu.memory_space<vmem>>, vector<1x16xf32>,
          %get3A_278 = vector.shape_cast %get3A_277 : vector<1x16xf32> to vector<16xf32>
          %mul3A_279 = arith.mulf %get3A_274, %get3A_278 : vector<16xf32>
          %swap3A_280 = arith.index_cast %scan3A_201 : i32 to index
          %swap3A_281 = arith.constant 80 : index
          %swap3A_282 = tpu.vector_load %arg10[%swap3A_280, %swap3A_281] {strides = array<i32>} : memref<64x128xf32, #tpu.memory_space<vmem>>, vector<1x16xf32>,
          %swap3A_283 = vector.shape_cast %swap3A_282 : vector<1x16xf32> to vector<16xf32>
          %swap3A_284 = vector.shape_cast %mul3A_279 : vector<16xf32> to vector<1x16xf32>
          tpu.vector_store %arg10[%swap3A_280, %swap3A_281], %swap3A_284 {strides = array<i32>} : memref<64x128xf32, #tpu.memory_space<vmem>>, vector<1x16xf32>,
          %get3A_285 = arith.index_cast %scan3A_201 : i32 to index
          %get3A_286 = arith.constant 96 : index
          %get3A_287 = tpu.vector_load %arg10[%get3A_285, %get3A_286] {strides = array<i32>} : memref<64x128xf32, #tpu.memory_space<vmem>>, vector<1x16xf32>,
          %get3A_288 = vector.shape_cast %get3A_287 : vector<1x16xf32> to vector<16xf32>
          %get3A_289 = arith.index_cast %scan3A_201 : i32 to index
          %get3A_290 = arith.constant 96 : index
          %get3A_291 = tpu.vector_load %arg9[%get3A_289, %get3A_290] {strides = array<i32>} : memref<64x128xf32, #tpu.memory_space<vmem>>, vector<1x16xf32>,
          %get3A_292 = vector.shape_cast %get3A_291 : vector<1x16xf32> to vector<16xf32>
          %mul3A_293 = arith.mulf %get3A_288, %get3A_292 : vector<16xf32>
          %swap3A_294 = arith.index_cast %scan3A_201 : i32 to index
          %swap3A_295 = arith.constant 96 : index
          %swap3A_296 = tpu.vector_load %arg10[%swap3A_294, %swap3A_295] {strides = array<i32>} : memref<64x128xf32, #tpu.memory_space<vmem>>, vector<1x16xf32>,
          %swap3A_297 = vector.shape_cast %swap3A_296 : vector<1x16xf32> to vector<16xf32>
          %swap3A_298 = vector.shape_cast %mul3A_293 : vector<16xf32> to vector<1x16xf32>
          tpu.vector_store %arg10[%swap3A_294, %swap3A_295], %swap3A_298 {strides = array<i32>} : memref<64x128xf32, #tpu.memory_space<vmem>>, vector<1x16xf32>,
          %get3A_299 = arith.index_cast %scan3A_201 : i32 to index
          %get3A_300 = arith.constant 112 : index
          %get3A_301 = tpu.vector_load %arg10[%get3A_299, %get3A_300] {strides = array<i32>} : memref<64x128xf32, #tpu.memory_space<vmem>>, vector<1x16xf32>,
          %get3A_302 = vector.shape_cast %get3A_301 : vector<1x16xf32> to vector<16xf32>
          %get3A_303 = arith.index_cast %scan3A_201 : i32 to index
          %get3A_304 = arith.constant 112 : index
          %get3A_305 = tpu.vector_load %arg9[%get3A_303, %get3A_304] {strides = array<i32>} : memref<64x128xf32, #tpu.memory_space<vmem>>, vector<1x16xf32>,
          %get3A_306 = vector.shape_cast %get3A_305 : vector<1x16xf32> to vector<16xf32>
          %mul3A_307 = arith.mulf %get3A_302, %get3A_306 : vector<16xf32>
          %swap3A_308 = arith.index_cast %scan3A_201 : i32 to index
          %swap3A_309 = arith.constant 112 : index
          %swap3A_310 = tpu.vector_load %arg10[%swap3A_308, %swap3A_309] {strides = array<i32>} : memref<64x128xf32, #tpu.memory_space<vmem>>, vector<1x16xf32>,
          %swap3A_311 = vector.shape_cast %swap3A_310 : vector<1x16xf32> to vector<16xf32>
          %swap3A_312 = vector.shape_cast %mul3A_307 : vector<16xf32> to vector<1x16xf32>
          tpu.vector_store %arg10[%swap3A_308, %swap3A_309], %swap3A_312 {strides = array<i32>} : memref<64x128xf32, #tpu.memory_space<vmem>>, vector<1x16xf32>,
          %scan3A_313 = arith.constant 0 : i32
          scf.yield %scan3A_313 : i32
        }
        %scan3A_191 = arith.constant 64 : i32
        %dma_start3A_192 = arith.constant 0 : i32
        %dma_start3A_193 = arith.constant 0 : i32
        %dma_start3A_194 = tpu.memref_slice %arg6[%dma_start3A_192, %dma_start3A_193] : memref<10000x128xf32, #tpu.memory_space<vmem_shared>> -> memref<10000x128xf32, #tpu.memory_space<vmem_shared>>
        tpu.enqueue_indirect_dma source(%arg10 : memref<64x128xf32, #tpu.memory_space<vmem>>) target(%dma_start3A_194 : memref<10000x128xf32, #tpu.memory_space<vmem_shared>>) offsets(%arg7 : memref<64xi32, #tpu.memory_space<vmem>>) semaphore(%arg21 : memref<!tpu.dma_semaphore, #tpu.memory_space<semaphore_mem>>) {add = true}
        %add3A_195 = arith.constant 2 : i32
        %add3A_196 = arith.addi %add3A_131, %add3A_195 : i32
        %lt3A_197 = arith.cmpi slt, %add3A_196, %select_n3A : i32
        %convert_element_type3A_198 = arith.extui %lt3A_197 : i1 to i32
        %cond3A_199 = arith.constant 0 : i32
        %cond3A_200 = arith.cmpi ne, %convert_element_type3A_198, %cond3A_199 : i32
        scf.if %cond3A_200 {
          %add3A_201 = arith.constant 2 : i32
          %add3A_202 = arith.addi %add3A_131, %add3A_201 : i32
          %mul3A_203 = arith.constant 32 : i32
          %mul3A_204 = arith.muli %add3A_202, %mul3A_203 : i32
          %add3A_205 = arith.addi %add3A, %mul3A_204 : i32
          %mul3A_206 = arith.constant 64 : i32
          %mul3A_207 = arith.muli %add3A_205, %mul3A_206 : i32
          %dma_wait3A_208 = arith.constant 0 : i32
          %dma_wait3A_209 = tpu.memref_slice %arg2[%dma_wait3A_208, %mul3A_207] : memref<2x320000xi32, #tpu.memory_space<hbm>> -> memref<1x64xi32, #tpu.memory_space<hbm>>
          %dma_wait3A_210 = tpu.memref_squeeze %dma_wait3A_209 : memref<1x64xi32, #tpu.memory_space<hbm>> -> memref<64xi32, #tpu.memory_space<hbm>>
          %dma_wait3A_211 = tpu.memref_slice %arg2[%dma_wait3A_208, %mul3A_207] : memref<2x320000xi32, #tpu.memory_space<hbm>> -> memref<1x64xi32, #tpu.memory_space<hbm>>
          %dma_wait3A_212 = tpu.memref_squeeze %dma_wait3A_211 : memref<1x64xi32, #tpu.memory_space<hbm>> -> memref<64xi32, #tpu.memory_space<hbm>>
          tpu.wait_dma2 semaphore(%arg20 : memref<!tpu.dma_semaphore, #tpu.memory_space<semaphore_mem>>) src(%dma_wait3A_212 : memref<64xi32, #tpu.memory_space<hbm>>) dst(%arg15 : memref<64xi32, #tpu.memory_space<vmem>>)
          %dma_wait3A_213 = arith.constant 1 : i32
          %dma_wait3A_214 = tpu.memref_slice %arg2[%dma_wait3A_213, %mul3A_207] : memref<2x320000xi32, #tpu.memory_space<hbm>> -> memref<1x64xi32, #tpu.memory_space<hbm>>
          %dma_wait3A_215 = tpu.memref_squeeze %dma_wait3A_214 : memref<1x64xi32, #tpu.memory_space<hbm>> -> memref<64xi32, #tpu.memory_space<hbm>>
          %dma_wait3A_216 = tpu.memref_slice %arg2[%dma_wait3A_213, %mul3A_207] : memref<2x320000xi32, #tpu.memory_space<hbm>> -> memref<1x64xi32, #tpu.memory_space<hbm>>
          %dma_wait3A_217 = tpu.memref_squeeze %dma_wait3A_216 : memref<1x64xi32, #tpu.memory_space<hbm>> -> memref<64xi32, #tpu.memory_space<hbm>>
          tpu.wait_dma2 semaphore(%arg20 : memref<!tpu.dma_semaphore, #tpu.memory_space<semaphore_mem>>) src(%dma_wait3A_217 : memref<64xi32, #tpu.memory_space<hbm>>) dst(%arg16 : memref<64xi32, #tpu.memory_space<vmem>>)
          %dma_start3A_218 = arith.constant 0 : i32
          %dma_start3A_219 = arith.constant 0 : i32
          %dma_start3A_220 = tpu.memref_slice %arg4[%dma_start3A_218, %dma_start3A_219] : memref<10000x128xf32, #tpu.memory_space<hbm>> -> memref<10000x128xf32, #tpu.memory_space<hbm>>
          tpu.enqueue_indirect_dma source(%dma_start3A_220 : memref<10000x128xf32, #tpu.memory_space<hbm>>) target(%arg17 : memref<64x128xf32, #tpu.memory_space<vmem>>) offsets(%arg16 : memref<64xi32, #tpu.memory_space<vmem>>) semaphore(%arg24 : memref<!tpu.dma_semaphore, #tpu.memory_space<semaphore_mem>>)
        } else {
        }
      } else {
      }
      %add3A_140 = arith.constant 1 : i32
      %add3A_141 = arith.addi %mul3A_129, %add3A_140 : i32
      %ge3A_142 = arith.constant 1 : i32
      %ge3A_143 = arith.cmpi sge, %add3A_141, %ge3A_142 : i32
      %le3A_144 = arith.cmpi sle, %add3A_141, %select_n3A : i32
      %and3A_145 = arith.andi %ge3A_143, %le3A_144 : i1
      %convert_element_type3A_146 = arith.extui %and3A_145 : i1 to i32
      %cond3A_147 = arith.constant 0 : i32
      %cond3A_148 = arith.cmpi ne, %convert_element_type3A_146, %cond3A_147 : i32
      scf.if %cond3A_148 {
        %dma_wait3A_167 = arith.constant 0 : i32
        %dma_wait3A_168 = arith.constant 0 : i32
        %dma_wait3A_169 = tpu.memref_slice %arg6[%dma_wait3A_167, %dma_wait3A_168] : memref<10000x128xf32, #tpu.memory_space<vmem_shared>> -> memref<10000x128xf32, #tpu.memory_space<vmem_shared>>
        tpu.wait_indirect_dma semaphore(%arg21 : memref<!tpu.dma_semaphore, #tpu.memory_space<semaphore_mem>>) src(%arg10 : memref<64x128xf32, #tpu.memory_space<vmem>>) dst(%dma_wait3A_169 : memref<10000x128xf32, #tpu.memory_space<vmem_shared>>)
      } else {
      }
      %lt3A_149 = arith.cmpi slt, %add3A_141, %select_n3A : i32
      %convert_element_type3A_150 = arith.extui %lt3A_149 : i1 to i32
      %cond3A_151 = arith.constant 0 : i32
      %cond3A_152 = arith.cmpi ne, %convert_element_type3A_150, %cond3A_151 : i32
      scf.if %cond3A_152 {
        %dma_wait3A_167 = arith.constant 0 : i32
        %dma_wait3A_168 = arith.constant 0 : i32
        %dma_wait3A_169 = tpu.memref_slice %arg4[%dma_wait3A_167, %dma_wait3A_168] : memref<10000x128xf32, #tpu.memory_space<hbm>> -> memref<10000x128xf32, #tpu.memory_space<hbm>>
        tpu.wait_indirect_dma semaphore(%arg23 : memref<!tpu.dma_semaphore, #tpu.memory_space<semaphore_mem>>) src(%dma_wait3A_169 : memref<10000x128xf32, #tpu.memory_space<hbm>>) dst(%arg13 : memref<64x128xf32, #tpu.memory_space<vmem>>)
        %add3A_170 = arith.constant 2 : i32
        %add3A_171 = arith.addi %add3A_141, %add3A_170 : i32
        %lt3A_172 = arith.cmpi slt, %add3A_171, %select_n3A : i32
        %convert_element_type3A_173 = arith.extui %lt3A_172 : i1 to i32
        %cond3A_174 = arith.constant 0 : i32
        %cond3A_175 = arith.cmpi ne, %convert_element_type3A_173, %cond3A_174 : i32
        scf.if %cond3A_175 {
          %add3A_201 = arith.constant 2 : i32
          %add3A_202 = arith.addi %add3A_141, %add3A_201 : i32
          %mul3A_203 = arith.constant 32 : i32
          %mul3A_204 = arith.muli %add3A_202, %mul3A_203 : i32
          %add3A_205 = arith.addi %add3A, %mul3A_204 : i32
          %mul3A_206 = arith.constant 64 : i32
          %mul3A_207 = arith.muli %add3A_205, %mul3A_206 : i32
          %dma_start3A_208 = arith.constant 0 : i32
          %dma_start3A_209 = tpu.memref_slice %arg2[%dma_start3A_208, %mul3A_207] : memref<2x320000xi32, #tpu.memory_space<hbm>> -> memref<1x64xi32, #tpu.memory_space<hbm>>
          %dma_start3A_210 = tpu.memref_squeeze %dma_start3A_209 : memref<1x64xi32, #tpu.memory_space<hbm>> -> memref<64xi32, #tpu.memory_space<hbm>>
          %dma_start3A_211 = tpu.memref_slice %arg2[%dma_start3A_208, %mul3A_207] : memref<2x320000xi32, #tpu.memory_space<hbm>> -> memref<1x64xi32, #tpu.memory_space<hbm>>
          %dma_start3A_212 = tpu.memref_squeeze %dma_start3A_211 : memref<1x64xi32, #tpu.memory_space<hbm>> -> memref<64xi32, #tpu.memory_space<hbm>>
          tpu.enqueue_dma source(%dma_start3A_212 : memref<64xi32, #tpu.memory_space<hbm>>) target(%arg7 : memref<64xi32, #tpu.memory_space<vmem>>) target_semaphore(%arg20 : memref<!tpu.dma_semaphore, #tpu.memory_space<semaphore_mem>>)
          %dma_start3A_213 = arith.constant 1 : i32
          %dma_start3A_214 = tpu.memref_slice %arg2[%dma_start3A_213, %mul3A_207] : memref<2x320000xi32, #tpu.memory_space<hbm>> -> memref<1x64xi32, #tpu.memory_space<hbm>>
          %dma_start3A_215 = tpu.memref_squeeze %dma_start3A_214 : memref<1x64xi32, #tpu.memory_space<hbm>> -> memref<64xi32, #tpu.memory_space<hbm>>
          %dma_start3A_216 = tpu.memref_slice %arg2[%dma_start3A_213, %mul3A_207] : memref<2x320000xi32, #tpu.memory_space<hbm>> -> memref<1x64xi32, #tpu.memory_space<hbm>>
          %dma_start3A_217 = tpu.memref_squeeze %dma_start3A_216 : memref<1x64xi32, #tpu.memory_space<hbm>> -> memref<64xi32, #tpu.memory_space<hbm>>
          tpu.enqueue_dma source(%dma_start3A_217 : memref<64xi32, #tpu.memory_space<hbm>>) target(%arg8 : memref<64xi32, #tpu.memory_space<vmem>>) target_semaphore(%arg20 : memref<!tpu.dma_semaphore, #tpu.memory_space<semaphore_mem>>)
          %dma_start3A_218 = arith.constant 0 : i32
          %dma_start3A_219 = tpu.memref_slice %arg3[%mul3A_207, %dma_start3A_218] : memref<320000x128xf32, #tpu.memory_space<hbm>> -> memref<64x128xf32, #tpu.memory_space<hbm>>
          %dma_start3A_220 = arith.constant 0 : i32
          %dma_start3A_221 = tpu.memref_slice %arg3[%mul3A_207, %dma_start3A_220] : memref<320000x128xf32, #tpu.memory_space<hbm>> -> memref<64x128xf32, #tpu.memory_space<hbm>>
          tpu.enqueue_dma source(%dma_start3A_221 : memref<64x128xf32, #tpu.memory_space<hbm>>) target(%arg10 : memref<64x128xf32, #tpu.memory_space<vmem>>) target_semaphore(%arg25 : memref<!tpu.dma_semaphore, #tpu.memory_space<semaphore_mem>>)
        } else {
        }
        %mul3A_176 = arith.constant 32 : i32
        %mul3A_177 = arith.muli %add3A_141, %mul3A_176 : i32
        %add3A_178 = arith.addi %add3A, %mul3A_177 : i32
        %mul3A_179 = arith.constant 64 : i32
        %mul3A_180 = arith.muli %add3A_178, %mul3A_179 : i32
        %dma_wait3A_181 = arith.constant 0 : i32
        %dma_wait3A_182 = tpu.memref_slice %arg3[%mul3A_180, %dma_wait3A_181] : memref<320000x128xf32, #tpu.memory_space<hbm>> -> memref<64x128xf32, #tpu.memory_space<hbm>>
        %dma_wait3A_183 = arith.constant 0 : i32
        %dma_wait3A_184 = tpu.memref_slice %arg3[%mul3A_180, %dma_wait3A_183] : memref<320000x128xf32, #tpu.memory_space<hbm>> -> memref<64x128xf32, #tpu.memory_space<hbm>>
        tpu.wait_dma2 semaphore(%arg26 : memref<!tpu.dma_semaphore, #tpu.memory_space<semaphore_mem>>) src(%dma_wait3A_184 : memref<64x128xf32, #tpu.memory_space<hbm>>) dst(%arg14 : memref<64x128xf32, #tpu.memory_space<vmem>>)
        %scan3A_185 = arith.constant 0 : i32
        %scan3A_186 = arith.constant 0 : i32
        %scan3A_187 = arith.constant 64 : i32
        %scan3A_188 = arith.addi %scan3A_186, %scan3A_187 : i32
        %scan3A_189 = arith.constant 1 : i32
        %scan3A_190 = scf.for %scan3A_201 = %scan3A_186 to %scan3A_188 step %scan3A_189 iter_args(%scan3A_202 = %scan3A_185) -> (i32)  : i32 {
          %get3A = arith.index_cast %scan3A_201 : i32 to index
          %get3A_203 = arith.constant 0 : index
          %get3A_204 = tpu.vector_load %arg14[%get3A, %get3A_203] {strides = array<i32>} : memref<64x128xf32, #tpu.memory_space<vmem>>, vector<1x16xf32>,
          %get3A_205 = vector.shape_cast %get3A_204 : vector<1x16xf32> to vector<16xf32>
          %get3A_206 = arith.index_cast %scan3A_201 : i32 to index
          %get3A_207 = arith.constant 0 : index
          %get3A_208 = tpu.vector_load %arg13[%get3A_206, %get3A_207] {strides = array<i32>} : memref<64x128xf32, #tpu.memory_space<vmem>>, vector<1x16xf32>,
          %get3A_209 = vector.shape_cast %get3A_208 : vector<1x16xf32> to vector<16xf32>
          %mul3A_210 = arith.mulf %get3A_205, %get3A_209 : vector<16xf32>
          %swap3A = arith.index_cast %scan3A_201 : i32 to index
          %swap3A_211 = arith.constant 0 : index
          %swap3A_212 = tpu.vector_load %arg14[%swap3A, %swap3A_211] {strides = array<i32>} : memref<64x128xf32, #tpu.memory_space<vmem>>, vector<1x16xf32>,
          %swap3A_213 = vector.shape_cast %swap3A_212 : vector<1x16xf32> to vector<16xf32>
          %swap3A_214 = vector.shape_cast %mul3A_210 : vector<16xf32> to vector<1x16xf32>
          tpu.vector_store %arg14[%swap3A, %swap3A_211], %swap3A_214 {strides = array<i32>} : memref<64x128xf32, #tpu.memory_space<vmem>>, vector<1x16xf32>,
          %get3A_215 = arith.index_cast %scan3A_201 : i32 to index
          %get3A_216 = arith.constant 16 : index
          %get3A_217 = tpu.vector_load %arg14[%get3A_215, %get3A_216] {strides = array<i32>} : memref<64x128xf32, #tpu.memory_space<vmem>>, vector<1x16xf32>,
          %get3A_218 = vector.shape_cast %get3A_217 : vector<1x16xf32> to vector<16xf32>
          %get3A_219 = arith.index_cast %scan3A_201 : i32 to index
          %get3A_220 = arith.constant 16 : index
          %get3A_221 = tpu.vector_load %arg13[%get3A_219, %get3A_220] {strides = array<i32>} : memref<64x128xf32, #tpu.memory_space<vmem>>, vector<1x16xf32>,
          %get3A_222 = vector.shape_cast %get3A_221 : vector<1x16xf32> to vector<16xf32>
          %mul3A_223 = arith.mulf %get3A_218, %get3A_222 : vector<16xf32>
          %swap3A_224 = arith.index_cast %scan3A_201 : i32 to index
          %swap3A_225 = arith.constant 16 : index
          %swap3A_226 = tpu.vector_load %arg14[%swap3A_224, %swap3A_225] {strides = array<i32>} : memref<64x128xf32, #tpu.memory_space<vmem>>, vector<1x16xf32>,
          %swap3A_227 = vector.shape_cast %swap3A_226 : vector<1x16xf32> to vector<16xf32>
          %swap3A_228 = vector.shape_cast %mul3A_223 : vector<16xf32> to vector<1x16xf32>
          tpu.vector_store %arg14[%swap3A_224, %swap3A_225], %swap3A_228 {strides = array<i32>} : memref<64x128xf32, #tpu.memory_space<vmem>>, vector<1x16xf32>,
          %get3A_229 = arith.index_cast %scan3A_201 : i32 to index
          %get3A_230 = arith.constant 32 : index
          %get3A_231 = tpu.vector_load %arg14[%get3A_229, %get3A_230] {strides = array<i32>} : memref<64x128xf32, #tpu.memory_space<vmem>>, vector<1x16xf32>,
          %get3A_232 = vector.shape_cast %get3A_231 : vector<1x16xf32> to vector<16xf32>
          %get3A_233 = arith.index_cast %scan3A_201 : i32 to index
          %get3A_234 = arith.constant 32 : index
          %get3A_235 = tpu.vector_load %arg13[%get3A_233, %get3A_234] {strides = array<i32>} : memref<64x128xf32, #tpu.memory_space<vmem>>, vector<1x16xf32>,
          %get3A_236 = vector.shape_cast %get3A_235 : vector<1x16xf32> to vector<16xf32>
          %mul3A_237 = arith.mulf %get3A_232, %get3A_236 : vector<16xf32>
          %swap3A_238 = arith.index_cast %scan3A_201 : i32 to index
          %swap3A_239 = arith.constant 32 : index
          %swap3A_240 = tpu.vector_load %arg14[%swap3A_238, %swap3A_239] {strides = array<i32>} : memref<64x128xf32, #tpu.memory_space<vmem>>, vector<1x16xf32>,
          %swap3A_241 = vector.shape_cast %swap3A_240 : vector<1x16xf32> to vector<16xf32>
          %swap3A_242 = vector.shape_cast %mul3A_237 : vector<16xf32> to vector<1x16xf32>
          tpu.vector_store %arg14[%swap3A_238, %swap3A_239], %swap3A_242 {strides = array<i32>} : memref<64x128xf32, #tpu.memory_space<vmem>>, vector<1x16xf32>,
          %get3A_243 = arith.index_cast %scan3A_201 : i32 to index
          %get3A_244 = arith.constant 48 : index
          %get3A_245 = tpu.vector_load %arg14[%get3A_243, %get3A_244] {strides = array<i32>} : memref<64x128xf32, #tpu.memory_space<vmem>>, vector<1x16xf32>,
          %get3A_246 = vector.shape_cast %get3A_245 : vector<1x16xf32> to vector<16xf32>
          %get3A_247 = arith.index_cast %scan3A_201 : i32 to index
          %get3A_248 = arith.constant 48 : index
          %get3A_249 = tpu.vector_load %arg13[%get3A_247, %get3A_248] {strides = array<i32>} : memref<64x128xf32, #tpu.memory_space<vmem>>, vector<1x16xf32>,
          %get3A_250 = vector.shape_cast %get3A_249 : vector<1x16xf32> to vector<16xf32>
          %mul3A_251 = arith.mulf %get3A_246, %get3A_250 : vector<16xf32>
          %swap3A_252 = arith.index_cast %scan3A_201 : i32 to index
          %swap3A_253 = arith.constant 48 : index
          %swap3A_254 = tpu.vector_load %arg14[%swap3A_252, %swap3A_253] {strides = array<i32>} : memref<64x128xf32, #tpu.memory_space<vmem>>, vector<1x16xf32>,
          %swap3A_255 = vector.shape_cast %swap3A_254 : vector<1x16xf32> to vector<16xf32>
          %swap3A_256 = vector.shape_cast %mul3A_251 : vector<16xf32> to vector<1x16xf32>
          tpu.vector_store %arg14[%swap3A_252, %swap3A_253], %swap3A_256 {strides = array<i32>} : memref<64x128xf32, #tpu.memory_space<vmem>>, vector<1x16xf32>,
          %get3A_257 = arith.index_cast %scan3A_201 : i32 to index
          %get3A_258 = arith.constant 64 : index
          %get3A_259 = tpu.vector_load %arg14[%get3A_257, %get3A_258] {strides = array<i32>} : memref<64x128xf32, #tpu.memory_space<vmem>>, vector<1x16xf32>,
          %get3A_260 = vector.shape_cast %get3A_259 : vector<1x16xf32> to vector<16xf32>
          %get3A_261 = arith.index_cast %scan3A_201 : i32 to index
          %get3A_262 = arith.constant 64 : index
          %get3A_263 = tpu.vector_load %arg13[%get3A_261, %get3A_262] {strides = array<i32>} : memref<64x128xf32, #tpu.memory_space<vmem>>, vector<1x16xf32>,
          %get3A_264 = vector.shape_cast %get3A_263 : vector<1x16xf32> to vector<16xf32>
          %mul3A_265 = arith.mulf %get3A_260, %get3A_264 : vector<16xf32>
          %swap3A_266 = arith.index_cast %scan3A_201 : i32 to index
          %swap3A_267 = arith.constant 64 : index
          %swap3A_268 = tpu.vector_load %arg14[%swap3A_266, %swap3A_267] {strides = array<i32>} : memref<64x128xf32, #tpu.memory_space<vmem>>, vector<1x16xf32>,
          %swap3A_269 = vector.shape_cast %swap3A_268 : vector<1x16xf32> to vector<16xf32>
          %swap3A_270 = vector.shape_cast %mul3A_265 : vector<16xf32> to vector<1x16xf32>
          tpu.vector_store %arg14[%swap3A_266, %swap3A_267], %swap3A_270 {strides = array<i32>} : memref<64x128xf32, #tpu.memory_space<vmem>>, vector<1x16xf32>,
          %get3A_271 = arith.index_cast %scan3A_201 : i32 to index
          %get3A_272 = arith.constant 80 : index
          %get3A_273 = tpu.vector_load %arg14[%get3A_271, %get3A_272] {strides = array<i32>} : memref<64x128xf32, #tpu.memory_space<vmem>>, vector<1x16xf32>,
          %get3A_274 = vector.shape_cast %get3A_273 : vector<1x16xf32> to vector<16xf32>
          %get3A_275 = arith.index_cast %scan3A_201 : i32 to index
          %get3A_276 = arith.constant 80 : index
          %get3A_277 = tpu.vector_load %arg13[%get3A_275, %get3A_276] {strides = array<i32>} : memref<64x128xf32, #tpu.memory_space<vmem>>, vector<1x16xf32>,
          %get3A_278 = vector.shape_cast %get3A_277 : vector<1x16xf32> to vector<16xf32>
          %mul3A_279 = arith.mulf %get3A_274, %get3A_278 : vector<16xf32>
          %swap3A_280 = arith.index_cast %scan3A_201 : i32 to index
          %swap3A_281 = arith.constant 80 : index
          %swap3A_282 = tpu.vector_load %arg14[%swap3A_280, %swap3A_281] {strides = array<i32>} : memref<64x128xf32, #tpu.memory_space<vmem>>, vector<1x16xf32>,
          %swap3A_283 = vector.shape_cast %swap3A_282 : vector<1x16xf32> to vector<16xf32>
          %swap3A_284 = vector.shape_cast %mul3A_279 : vector<16xf32> to vector<1x16xf32>
          tpu.vector_store %arg14[%swap3A_280, %swap3A_281], %swap3A_284 {strides = array<i32>} : memref<64x128xf32, #tpu.memory_space<vmem>>, vector<1x16xf32>,
          %get3A_285 = arith.index_cast %scan3A_201 : i32 to index
          %get3A_286 = arith.constant 96 : index
          %get3A_287 = tpu.vector_load %arg14[%get3A_285, %get3A_286] {strides = array<i32>} : memref<64x128xf32, #tpu.memory_space<vmem>>, vector<1x16xf32>,
          %get3A_288 = vector.shape_cast %get3A_287 : vector<1x16xf32> to vector<16xf32>
          %get3A_289 = arith.index_cast %scan3A_201 : i32 to index
          %get3A_290 = arith.constant 96 : index
          %get3A_291 = tpu.vector_load %arg13[%get3A_289, %get3A_290] {strides = array<i32>} : memref<64x128xf32, #tpu.memory_space<vmem>>, vector<1x16xf32>,
          %get3A_292 = vector.shape_cast %get3A_291 : vector<1x16xf32> to vector<16xf32>
          %mul3A_293 = arith.mulf %get3A_288, %get3A_292 : vector<16xf32>
          %swap3A_294 = arith.index_cast %scan3A_201 : i32 to index
          %swap3A_295 = arith.constant 96 : index
          %swap3A_296 = tpu.vector_load %arg14[%swap3A_294, %swap3A_295] {strides = array<i32>} : memref<64x128xf32, #tpu.memory_space<vmem>>, vector<1x16xf32>,
          %swap3A_297 = vector.shape_cast %swap3A_296 : vector<1x16xf32> to vector<16xf32>
          %swap3A_298 = vector.shape_cast %mul3A_293 : vector<16xf32> to vector<1x16xf32>
          tpu.vector_store %arg14[%swap3A_294, %swap3A_295], %swap3A_298 {strides = array<i32>} : memref<64x128xf32, #tpu.memory_space<vmem>>, vector<1x16xf32>,
          %get3A_299 = arith.index_cast %scan3A_201 : i32 to index
          %get3A_300 = arith.constant 112 : index
          %get3A_301 = tpu.vector_load %arg14[%get3A_299, %get3A_300] {strides = array<i32>} : memref<64x128xf32, #tpu.memory_space<vmem>>, vector<1x16xf32>,
          %get3A_302 = vector.shape_cast %get3A_301 : vector<1x16xf32> to vector<16xf32>
          %get3A_303 = arith.index_cast %scan3A_201 : i32 to index
          %get3A_304 = arith.constant 112 : index
          %get3A_305 = tpu.vector_load %arg13[%get3A_303, %get3A_304] {strides = array<i32>} : memref<64x128xf32, #tpu.memory_space<vmem>>, vector<1x16xf32>,
          %get3A_306 = vector.shape_cast %get3A_305 : vector<1x16xf32> to vector<16xf32>
          %mul3A_307 = arith.mulf %get3A_302, %get3A_306 : vector<16xf32>
          %swap3A_308 = arith.index_cast %scan3A_201 : i32 to index
          %swap3A_309 = arith.constant 112 : index
          %swap3A_310 = tpu.vector_load %arg14[%swap3A_308, %swap3A_309] {strides = array<i32>} : memref<64x128xf32, #tpu.memory_space<vmem>>, vector<1x16xf32>,
          %swap3A_311 = vector.shape_cast %swap3A_310 : vector<1x16xf32> to vector<16xf32>
          %swap3A_312 = vector.shape_cast %mul3A_307 : vector<16xf32> to vector<1x16xf32>
          tpu.vector_store %arg14[%swap3A_308, %swap3A_309], %swap3A_312 {strides = array<i32>} : memref<64x128xf32, #tpu.memory_space<vmem>>, vector<1x16xf32>,
          %scan3A_313 = arith.constant 0 : i32
          scf.yield %scan3A_313 : i32
        }
        %scan3A_191 = arith.constant 64 : i32
        %dma_start3A_192 = arith.constant 0 : i32
        %dma_start3A_193 = arith.constant 0 : i32
        %dma_start3A_194 = tpu.memref_slice %arg6[%dma_start3A_192, %dma_start3A_193] : memref<10000x128xf32, #tpu.memory_space<vmem_shared>> -> memref<10000x128xf32, #tpu.memory_space<vmem_shared>>
        tpu.enqueue_indirect_dma source(%arg14 : memref<64x128xf32, #tpu.memory_space<vmem>>) target(%dma_start3A_194 : memref<10000x128xf32, #tpu.memory_space<vmem_shared>>) offsets(%arg11 : memref<64xi32, #tpu.memory_space<vmem>>) semaphore(%arg21 : memref<!tpu.dma_semaphore, #tpu.memory_space<semaphore_mem>>) {add = true}
        %add3A_195 = arith.constant 2 : i32
        %add3A_196 = arith.addi %add3A_141, %add3A_195 : i32
        %lt3A_197 = arith.cmpi slt, %add3A_196, %select_n3A : i32
        %convert_element_type3A_198 = arith.extui %lt3A_197 : i1 to i32
        %cond3A_199 = arith.constant 0 : i32
        %cond3A_200 = arith.cmpi ne, %convert_element_type3A_198, %cond3A_199 : i32
        scf.if %cond3A_200 {
          %add3A_201 = arith.constant 2 : i32
          %add3A_202 = arith.addi %add3A_141, %add3A_201 : i32
          %mul3A_203 = arith.constant 32 : i32
          %mul3A_204 = arith.muli %add3A_202, %mul3A_203 : i32
          %add3A_205 = arith.addi %add3A, %mul3A_204 : i32
          %mul3A_206 = arith.constant 64 : i32
          %mul3A_207 = arith.muli %add3A_205, %mul3A_206 : i32
          %dma_wait3A_208 = arith.constant 0 : i32
          %dma_wait3A_209 = tpu.memref_slice %arg2[%dma_wait3A_208, %mul3A_207] : memref<2x320000xi32, #tpu.memory_space<hbm>> -> memref<1x64xi32, #tpu.memory_space<hbm>>
          %dma_wait3A_210 = tpu.memref_squeeze %dma_wait3A_209 : memref<1x64xi32, #tpu.memory_space<hbm>> -> memref<64xi32, #tpu.memory_space<hbm>>
          %dma_wait3A_211 = tpu.memref_slice %arg2[%dma_wait3A_208, %mul3A_207] : memref<2x320000xi32, #tpu.memory_space<hbm>> -> memref<1x64xi32, #tpu.memory_space<hbm>>
          %dma_wait3A_212 = tpu.memref_squeeze %dma_wait3A_211 : memref<1x64xi32, #tpu.memory_space<hbm>> -> memref<64xi32, #tpu.memory_space<hbm>>
          tpu.wait_dma2 semaphore(%arg20 : memref<!tpu.dma_semaphore, #tpu.memory_space<semaphore_mem>>) src(%dma_wait3A_212 : memref<64xi32, #tpu.memory_space<hbm>>) dst(%arg7 : memref<64xi32, #tpu.memory_space<vmem>>)
          %dma_wait3A_213 = arith.constant 1 : i32
          %dma_wait3A_214 = tpu.memref_slice %arg2[%dma_wait3A_213, %mul3A_207] : memref<2x320000xi32, #tpu.memory_space<hbm>> -> memref<1x64xi32, #tpu.memory_space<hbm>>
          %dma_wait3A_215 = tpu.memref_squeeze %dma_wait3A_214 : memref<1x64xi32, #tpu.memory_space<hbm>> -> memref<64xi32, #tpu.memory_space<hbm>>
          %dma_wait3A_216 = tpu.memref_slice %arg2[%dma_wait3A_213, %mul3A_207] : memref<2x320000xi32, #tpu.memory_space<hbm>> -> memref<1x64xi32, #tpu.memory_space<hbm>>
          %dma_wait3A_217 = tpu.memref_squeeze %dma_wait3A_216 : memref<1x64xi32, #tpu.memory_space<hbm>> -> memref<64xi32, #tpu.memory_space<hbm>>
          tpu.wait_dma2 semaphore(%arg20 : memref<!tpu.dma_semaphore, #tpu.memory_space<semaphore_mem>>) src(%dma_wait3A_217 : memref<64xi32, #tpu.memory_space<hbm>>) dst(%arg8 : memref<64xi32, #tpu.memory_space<vmem>>)
          %dma_start3A_218 = arith.constant 0 : i32
          %dma_start3A_219 = arith.constant 0 : i32
          %dma_start3A_220 = tpu.memref_slice %arg4[%dma_start3A_218, %dma_start3A_219] : memref<10000x128xf32, #tpu.memory_space<hbm>> -> memref<10000x128xf32, #tpu.memory_space<hbm>>
          tpu.enqueue_indirect_dma source(%dma_start3A_220 : memref<10000x128xf32, #tpu.memory_space<hbm>>) target(%arg9 : memref<64x128xf32, #tpu.memory_space<vmem>>) offsets(%arg8 : memref<64xi32, #tpu.memory_space<vmem>>) semaphore(%arg22 : memref<!tpu.dma_semaphore, #tpu.memory_space<semaphore_mem>>)
        } else {
        }
      } else {
      }
      %add3A_153 = arith.constant 2 : i32
      %add3A_154 = arith.addi %mul3A_129, %add3A_153 : i32
      %ge3A_155 = arith.constant 1 : i32
      %ge3A_156 = arith.cmpi sge, %add3A_154, %ge3A_155 : i32
      %le3A_157 = arith.cmpi sle, %add3A_154, %select_n3A : i32
      %and3A_158 = arith.andi %ge3A_156, %le3A_157 : i1
      %convert_element_type3A_159 = arith.extui %and3A_158 : i1 to i32
      %cond3A_160 = arith.constant 0 : i32
      %cond3A_161 = arith.cmpi ne, %convert_element_type3A_159, %cond3A_160 : i32
      scf.if %cond3A_161 {
        %dma_wait3A_167 = arith.constant 0 : i32
        %dma_wait3A_168 = arith.constant 0 : i32
        %dma_wait3A_169 = tpu.memref_slice %arg6[%dma_wait3A_167, %dma_wait3A_168] : memref<10000x128xf32, #tpu.memory_space<vmem_shared>> -> memref<10000x128xf32, #tpu.memory_space<vmem_shared>>
        tpu.wait_indirect_dma semaphore(%arg21 : memref<!tpu.dma_semaphore, #tpu.memory_space<semaphore_mem>>) src(%arg14 : memref<64x128xf32, #tpu.memory_space<vmem>>) dst(%dma_wait3A_169 : memref<10000x128xf32, #tpu.memory_space<vmem_shared>>)
      } else {
      }
      %lt3A_162 = arith.cmpi slt, %add3A_154, %select_n3A : i32
      %convert_element_type3A_163 = arith.extui %lt3A_162 : i1 to i32
      %cond3A_164 = arith.constant 0 : i32
      %cond3A_165 = arith.cmpi ne, %convert_element_type3A_163, %cond3A_164 : i32
      scf.if %cond3A_165 {
        %dma_wait3A_167 = arith.constant 0 : i32
        %dma_wait3A_168 = arith.constant 0 : i32
        %dma_wait3A_169 = tpu.memref_slice %arg4[%dma_wait3A_167, %dma_wait3A_168] : memref<10000x128xf32, #tpu.memory_space<hbm>> -> memref<10000x128xf32, #tpu.memory_space<hbm>>
        tpu.wait_indirect_dma semaphore(%arg24 : memref<!tpu.dma_semaphore, #tpu.memory_space<semaphore_mem>>) src(%dma_wait3A_169 : memref<10000x128xf32, #tpu.memory_space<hbm>>) dst(%arg17 : memref<64x128xf32, #tpu.memory_space<vmem>>)
        %add3A_170 = arith.constant 2 : i32
        %add3A_171 = arith.addi %add3A_154, %add3A_170 : i32
        %lt3A_172 = arith.cmpi slt, %add3A_171, %select_n3A : i32
        %convert_element_type3A_173 = arith.extui %lt3A_172 : i1 to i32
        %cond3A_174 = arith.constant 0 : i32
        %cond3A_175 = arith.cmpi ne, %convert_element_type3A_173, %cond3A_174 : i32
        scf.if %cond3A_175 {
          %add3A_201 = arith.constant 2 : i32
          %add3A_202 = arith.addi %add3A_154, %add3A_201 : i32
          %mul3A_203 = arith.constant 32 : i32
          %mul3A_204 = arith.muli %add3A_202, %mul3A_203 : i32
          %add3A_205 = arith.addi %add3A, %mul3A_204 : i32
          %mul3A_206 = arith.constant 64 : i32
          %mul3A_207 = arith.muli %add3A_205, %mul3A_206 : i32
          %dma_start3A_208 = arith.constant 0 : i32
          %dma_start3A_209 = tpu.memref_slice %arg2[%dma_start3A_208, %mul3A_207] : memref<2x320000xi32, #tpu.memory_space<hbm>> -> memref<1x64xi32, #tpu.memory_space<hbm>>
          %dma_start3A_210 = tpu.memref_squeeze %dma_start3A_209 : memref<1x64xi32, #tpu.memory_space<hbm>> -> memref<64xi32, #tpu.memory_space<hbm>>
          %dma_start3A_211 = tpu.memref_slice %arg2[%dma_start3A_208, %mul3A_207] : memref<2x320000xi32, #tpu.memory_space<hbm>> -> memref<1x64xi32, #tpu.memory_space<hbm>>
          %dma_start3A_212 = tpu.memref_squeeze %dma_start3A_211 : memref<1x64xi32, #tpu.memory_space<hbm>> -> memref<64xi32, #tpu.memory_space<hbm>>
          tpu.enqueue_dma source(%dma_start3A_212 : memref<64xi32, #tpu.memory_space<hbm>>) target(%arg11 : memref<64xi32, #tpu.memory_space<vmem>>) target_semaphore(%arg20 : memref<!tpu.dma_semaphore, #tpu.memory_space<semaphore_mem>>)
          %dma_start3A_213 = arith.constant 1 : i32
          %dma_start3A_214 = tpu.memref_slice %arg2[%dma_start3A_213, %mul3A_207] : memref<2x320000xi32, #tpu.memory_space<hbm>> -> memref<1x64xi32, #tpu.memory_space<hbm>>
          %dma_start3A_215 = tpu.memref_squeeze %dma_start3A_214 : memref<1x64xi32, #tpu.memory_space<hbm>> -> memref<64xi32, #tpu.memory_space<hbm>>
          %dma_start3A_216 = tpu.memref_slice %arg2[%dma_start3A_213, %mul3A_207] : memref<2x320000xi32, #tpu.memory_space<hbm>> -> memref<1x64xi32, #tpu.memory_space<hbm>>
          %dma_start3A_217 = tpu.memref_squeeze %dma_start3A_216 : memref<1x64xi32, #tpu.memory_space<hbm>> -> memref<64xi32, #tpu.memory_space<hbm>>
          tpu.enqueue_dma source(%dma_start3A_217 : memref<64xi32, #tpu.memory_space<hbm>>) target(%arg12 : memref<64xi32, #tpu.memory_space<vmem>>) target_semaphore(%arg20 : memref<!tpu.dma_semaphore, #tpu.memory_space<semaphore_mem>>)
          %dma_start3A_218 = arith.constant 0 : i32
          %dma_start3A_219 = tpu.memref_slice %arg3[%mul3A_207, %dma_start3A_218] : memref<320000x128xf32, #tpu.memory_space<hbm>> -> memref<64x128xf32, #tpu.memory_space<hbm>>
          %dma_start3A_220 = arith.constant 0 : i32
          %dma_start3A_221 = tpu.memref_slice %arg3[%mul3A_207, %dma_start3A_220] : memref<320000x128xf32, #tpu.memory_space<hbm>> -> memref<64x128xf32, #tpu.memory_space<hbm>>
          tpu.enqueue_dma source(%dma_start3A_221 : memref<64x128xf32, #tpu.memory_space<hbm>>) target(%arg14 : memref<64x128xf32, #tpu.memory_space<vmem>>) target_semaphore(%arg26 : memref<!tpu.dma_semaphore, #tpu.memory_space<semaphore_mem>>)
        } else {
        }
        %mul3A_176 = arith.constant 32 : i32
        %mul3A_177 = arith.muli %add3A_154, %mul3A_176 : i32
        %add3A_178 = arith.addi %add3A, %mul3A_177 : i32
        %mul3A_179 = arith.constant 64 : i32
        %mul3A_180 = arith.muli %add3A_178, %mul3A_179 : i32
        %dma_wait3A_181 = arith.constant 0 : i32
        %dma_wait3A_182 = tpu.memref_slice %arg3[%mul3A_180, %dma_wait3A_181] : memref<320000x128xf32, #tpu.memory_space<hbm>> -> memref<64x128xf32, #tpu.memory_space<hbm>>
        %dma_wait3A_183 = arith.constant 0 : i32
        %dma_wait3A_184 = tpu.memref_slice %arg3[%mul3A_180, %dma_wait3A_183] : memref<320000x128xf32, #tpu.memory_space<hbm>> -> memref<64x128xf32, #tpu.memory_space<hbm>>
        tpu.wait_dma2 semaphore(%arg27 : memref<!tpu.dma_semaphore, #tpu.memory_space<semaphore_mem>>) src(%dma_wait3A_184 : memref<64x128xf32, #tpu.memory_space<hbm>>) dst(%arg18 : memref<64x128xf32, #tpu.memory_space<vmem>>)
        %scan3A_185 = arith.constant 0 : i32
        %scan3A_186 = arith.constant 0 : i32
        %scan3A_187 = arith.constant 64 : i32
        %scan3A_188 = arith.addi %scan3A_186, %scan3A_187 : i32
        %scan3A_189 = arith.constant 1 : i32
        %scan3A_190 = scf.for %scan3A_201 = %scan3A_186 to %scan3A_188 step %scan3A_189 iter_args(%scan3A_202 = %scan3A_185) -> (i32)  : i32 {
          %get3A = arith.index_cast %scan3A_201 : i32 to index
          %get3A_203 = arith.constant 0 : index
          %get3A_204 = tpu.vector_load %arg18[%get3A, %get3A_203] {strides = array<i32>} : memref<64x128xf32, #tpu.memory_space<vmem>>, vector<1x16xf32>,
          %get3A_205 = vector.shape_cast %get3A_204 : vector<1x16xf32> to vector<16xf32>
          %get3A_206 = arith.index_cast %scan3A_201 : i32 to index
          %get3A_207 = arith.constant 0 : index
          %get3A_208 = tpu.vector_load %arg17[%get3A_206, %get3A_207] {strides = array<i32>} : memref<64x128xf32, #tpu.memory_space<vmem>>, vector<1x16xf32>,
          %get3A_209 = vector.shape_cast %get3A_208 : vector<1x16xf32> to vector<16xf32>
          %mul3A_210 = arith.mulf %get3A_205, %get3A_209 : vector<16xf32>
          %swap3A = arith.index_cast %scan3A_201 : i32 to index
          %swap3A_211 = arith.constant 0 : index
          %swap3A_212 = tpu.vector_load %arg18[%swap3A, %swap3A_211] {strides = array<i32>} : memref<64x128xf32, #tpu.memory_space<vmem>>, vector<1x16xf32>,
          %swap3A_213 = vector.shape_cast %swap3A_212 : vector<1x16xf32> to vector<16xf32>
          %swap3A_214 = vector.shape_cast %mul3A_210 : vector<16xf32> to vector<1x16xf32>
          tpu.vector_store %arg18[%swap3A, %swap3A_211], %swap3A_214 {strides = array<i32>} : memref<64x128xf32, #tpu.memory_space<vmem>>, vector<1x16xf32>,
          %get3A_215 = arith.index_cast %scan3A_201 : i32 to index
          %get3A_216 = arith.constant 16 : index
          %get3A_217 = tpu.vector_load %arg18[%get3A_215, %get3A_216] {strides = array<i32>} : memref<64x128xf32, #tpu.memory_space<vmem>>, vector<1x16xf32>,
          %get3A_218 = vector.shape_cast %get3A_217 : vector<1x16xf32> to vector<16xf32>
          %get3A_219 = arith.index_cast %scan3A_201 : i32 to index
          %get3A_220 = arith.constant 16 : index
          %get3A_221 = tpu.vector_load %arg17[%get3A_219, %get3A_220] {strides = array<i32>} : memref<64x128xf32, #tpu.memory_space<vmem>>, vector<1x16xf32>,
          %get3A_222 = vector.shape_cast %get3A_221 : vector<1x16xf32> to vector<16xf32>
          %mul3A_223 = arith.mulf %get3A_218, %get3A_222 : vector<16xf32>
          %swap3A_224 = arith.index_cast %scan3A_201 : i32 to index
          %swap3A_225 = arith.constant 16 : index
          %swap3A_226 = tpu.vector_load %arg18[%swap3A_224, %swap3A_225] {strides = array<i32>} : memref<64x128xf32, #tpu.memory_space<vmem>>, vector<1x16xf32>,
          %swap3A_227 = vector.shape_cast %swap3A_226 : vector<1x16xf32> to vector<16xf32>
          %swap3A_228 = vector.shape_cast %mul3A_223 : vector<16xf32> to vector<1x16xf32>
          tpu.vector_store %arg18[%swap3A_224, %swap3A_225], %swap3A_228 {strides = array<i32>} : memref<64x128xf32, #tpu.memory_space<vmem>>, vector<1x16xf32>,
          %get3A_229 = arith.index_cast %scan3A_201 : i32 to index
          %get3A_230 = arith.constant 32 : index
          %get3A_231 = tpu.vector_load %arg18[%get3A_229, %get3A_230] {strides = array<i32>} : memref<64x128xf32, #tpu.memory_space<vmem>>, vector<1x16xf32>,
          %get3A_232 = vector.shape_cast %get3A_231 : vector<1x16xf32> to vector<16xf32>
          %get3A_233 = arith.index_cast %scan3A_201 : i32 to index
          %get3A_234 = arith.constant 32 : index
          %get3A_235 = tpu.vector_load %arg17[%get3A_233, %get3A_234] {strides = array<i32>} : memref<64x128xf32, #tpu.memory_space<vmem>>, vector<1x16xf32>,
          %get3A_236 = vector.shape_cast %get3A_235 : vector<1x16xf32> to vector<16xf32>
          %mul3A_237 = arith.mulf %get3A_232, %get3A_236 : vector<16xf32>
          %swap3A_238 = arith.index_cast %scan3A_201 : i32 to index
          %swap3A_239 = arith.constant 32 : index
          %swap3A_240 = tpu.vector_load %arg18[%swap3A_238, %swap3A_239] {strides = array<i32>} : memref<64x128xf32, #tpu.memory_space<vmem>>, vector<1x16xf32>,
          %swap3A_241 = vector.shape_cast %swap3A_240 : vector<1x16xf32> to vector<16xf32>
          %swap3A_242 = vector.shape_cast %mul3A_237 : vector<16xf32> to vector<1x16xf32>
          tpu.vector_store %arg18[%swap3A_238, %swap3A_239], %swap3A_242 {strides = array<i32>} : memref<64x128xf32, #tpu.memory_space<vmem>>, vector<1x16xf32>,
          %get3A_243 = arith.index_cast %scan3A_201 : i32 to index
          %get3A_244 = arith.constant 48 : index
          %get3A_245 = tpu.vector_load %arg18[%get3A_243, %get3A_244] {strides = array<i32>} : memref<64x128xf32, #tpu.memory_space<vmem>>, vector<1x16xf32>,
          %get3A_246 = vector.shape_cast %get3A_245 : vector<1x16xf32> to vector<16xf32>
          %get3A_247 = arith.index_cast %scan3A_201 : i32 to index
          %get3A_248 = arith.constant 48 : index
          %get3A_249 = tpu.vector_load %arg17[%get3A_247, %get3A_248] {strides = array<i32>} : memref<64x128xf32, #tpu.memory_space<vmem>>, vector<1x16xf32>,
          %get3A_250 = vector.shape_cast %get3A_249 : vector<1x16xf32> to vector<16xf32>
          %mul3A_251 = arith.mulf %get3A_246, %get3A_250 : vector<16xf32>
          %swap3A_252 = arith.index_cast %scan3A_201 : i32 to index
          %swap3A_253 = arith.constant 48 : index
          %swap3A_254 = tpu.vector_load %arg18[%swap3A_252, %swap3A_253] {strides = array<i32>} : memref<64x128xf32, #tpu.memory_space<vmem>>, vector<1x16xf32>,
          %swap3A_255 = vector.shape_cast %swap3A_254 : vector<1x16xf32> to vector<16xf32>
          %swap3A_256 = vector.shape_cast %mul3A_251 : vector<16xf32> to vector<1x16xf32>
          tpu.vector_store %arg18[%swap3A_252, %swap3A_253], %swap3A_256 {strides = array<i32>} : memref<64x128xf32, #tpu.memory_space<vmem>>, vector<1x16xf32>,
          %get3A_257 = arith.index_cast %scan3A_201 : i32 to index
          %get3A_258 = arith.constant 64 : index
          %get3A_259 = tpu.vector_load %arg18[%get3A_257, %get3A_258] {strides = array<i32>} : memref<64x128xf32, #tpu.memory_space<vmem>>, vector<1x16xf32>,
          %get3A_260 = vector.shape_cast %get3A_259 : vector<1x16xf32> to vector<16xf32>
          %get3A_261 = arith.index_cast %scan3A_201 : i32 to index
          %get3A_262 = arith.constant 64 : index
          %get3A_263 = tpu.vector_load %arg17[%get3A_261, %get3A_262] {strides = array<i32>} : memref<64x128xf32, #tpu.memory_space<vmem>>, vector<1x16xf32>,
          %get3A_264 = vector.shape_cast %get3A_263 : vector<1x16xf32> to vector<16xf32>
          %mul3A_265 = arith.mulf %get3A_260, %get3A_264 : vector<16xf32>
          %swap3A_266 = arith.index_cast %scan3A_201 : i32 to index
          %swap3A_267 = arith.constant 64 : index
          %swap3A_268 = tpu.vector_load %arg18[%swap3A_266, %swap3A_267] {strides = array<i32>} : memref<64x128xf32, #tpu.memory_space<vmem>>, vector<1x16xf32>,
          %swap3A_269 = vector.shape_cast %swap3A_268 : vector<1x16xf32> to vector<16xf32>
          %swap3A_270 = vector.shape_cast %mul3A_265 : vector<16xf32> to vector<1x16xf32>
          tpu.vector_store %arg18[%swap3A_266, %swap3A_267], %swap3A_270 {strides = array<i32>} : memref<64x128xf32, #tpu.memory_space<vmem>>, vector<1x16xf32>,
          %get3A_271 = arith.index_cast %scan3A_201 : i32 to index
          %get3A_272 = arith.constant 80 : index
          %get3A_273 = tpu.vector_load %arg18[%get3A_271, %get3A_272] {strides = array<i32>} : memref<64x128xf32, #tpu.memory_space<vmem>>, vector<1x16xf32>,
          %get3A_274 = vector.shape_cast %get3A_273 : vector<1x16xf32> to vector<16xf32>
          %get3A_275 = arith.index_cast %scan3A_201 : i32 to index
          %get3A_276 = arith.constant 80 : index
          %get3A_277 = tpu.vector_load %arg17[%get3A_275, %get3A_276] {strides = array<i32>} : memref<64x128xf32, #tpu.memory_space<vmem>>, vector<1x16xf32>,
          %get3A_278 = vector.shape_cast %get3A_277 : vector<1x16xf32> to vector<16xf32>
          %mul3A_279 = arith.mulf %get3A_274, %get3A_278 : vector<16xf32>
          %swap3A_280 = arith.index_cast %scan3A_201 : i32 to index
          %swap3A_281 = arith.constant 80 : index
          %swap3A_282 = tpu.vector_load %arg18[%swap3A_280, %swap3A_281] {strides = array<i32>} : memref<64x128xf32, #tpu.memory_space<vmem>>, vector<1x16xf32>,
          %swap3A_283 = vector.shape_cast %swap3A_282 : vector<1x16xf32> to vector<16xf32>
          %swap3A_284 = vector.shape_cast %mul3A_279 : vector<16xf32> to vector<1x16xf32>
          tpu.vector_store %arg18[%swap3A_280, %swap3A_281], %swap3A_284 {strides = array<i32>} : memref<64x128xf32, #tpu.memory_space<vmem>>, vector<1x16xf32>,
          %get3A_285 = arith.index_cast %scan3A_201 : i32 to index
          %get3A_286 = arith.constant 96 : index
          %get3A_287 = tpu.vector_load %arg18[%get3A_285, %get3A_286] {strides = array<i32>} : memref<64x128xf32, #tpu.memory_space<vmem>>, vector<1x16xf32>,
          %get3A_288 = vector.shape_cast %get3A_287 : vector<1x16xf32> to vector<16xf32>
          %get3A_289 = arith.index_cast %scan3A_201 : i32 to index
          %get3A_290 = arith.constant 96 : index
          %get3A_291 = tpu.vector_load %arg17[%get3A_289, %get3A_290] {strides = array<i32>} : memref<64x128xf32, #tpu.memory_space<vmem>>, vector<1x16xf32>,
          %get3A_292 = vector.shape_cast %get3A_291 : vector<1x16xf32> to vector<16xf32>
          %mul3A_293 = arith.mulf %get3A_288, %get3A_292 : vector<16xf32>
          %swap3A_294 = arith.index_cast %scan3A_201 : i32 to index
          %swap3A_295 = arith.constant 96 : index
          %swap3A_296 = tpu.vector_load %arg18[%swap3A_294, %swap3A_295] {strides = array<i32>} : memref<64x128xf32, #tpu.memory_space<vmem>>, vector<1x16xf32>,
          %swap3A_297 = vector.shape_cast %swap3A_296 : vector<1x16xf32> to vector<16xf32>
          %swap3A_298 = vector.shape_cast %mul3A_293 : vector<16xf32> to vector<1x16xf32>
          tpu.vector_store %arg18[%swap3A_294, %swap3A_295], %swap3A_298 {strides = array<i32>} : memref<64x128xf32, #tpu.memory_space<vmem>>, vector<1x16xf32>,
          %get3A_299 = arith.index_cast %scan3A_201 : i32 to index
          %get3A_300 = arith.constant 112 : index
          %get3A_301 = tpu.vector_load %arg18[%get3A_299, %get3A_300] {strides = array<i32>} : memref<64x128xf32, #tpu.memory_space<vmem>>, vector<1x16xf32>,
          %get3A_302 = vector.shape_cast %get3A_301 : vector<1x16xf32> to vector<16xf32>
          %get3A_303 = arith.index_cast %scan3A_201 : i32 to index
          %get3A_304 = arith.constant 112 : index
          %get3A_305 = tpu.vector_load %arg17[%get3A_303, %get3A_304] {strides = array<i32>} : memref<64x128xf32, #tpu.memory_space<vmem>>, vector<1x16xf32>,
          %get3A_306 = vector.shape_cast %get3A_305 : vector<1x16xf32> to vector<16xf32>
          %mul3A_307 = arith.mulf %get3A_302, %get3A_306 : vector<16xf32>
          %swap3A_308 = arith.index_cast %scan3A_201 : i32 to index
          %swap3A_309 = arith.constant 112 : index
          %swap3A_310 = tpu.vector_load %arg18[%swap3A_308, %swap3A_309] {strides = array<i32>} : memref<64x128xf32, #tpu.memory_space<vmem>>, vector<1x16xf32>,
          %swap3A_311 = vector.shape_cast %swap3A_310 : vector<1x16xf32> to vector<16xf32>
          %swap3A_312 = vector.shape_cast %mul3A_307 : vector<16xf32> to vector<1x16xf32>
          tpu.vector_store %arg18[%swap3A_308, %swap3A_309], %swap3A_312 {strides = array<i32>} : memref<64x128xf32, #tpu.memory_space<vmem>>, vector<1x16xf32>,
          %scan3A_313 = arith.constant 0 : i32
          scf.yield %scan3A_313 : i32
        }
        %scan3A_191 = arith.constant 64 : i32
        %dma_start3A_192 = arith.constant 0 : i32
        %dma_start3A_193 = arith.constant 0 : i32
        %dma_start3A_194 = tpu.memref_slice %arg6[%dma_start3A_192, %dma_start3A_193] : memref<10000x128xf32, #tpu.memory_space<vmem_shared>> -> memref<10000x128xf32, #tpu.memory_space<vmem_shared>>
        tpu.enqueue_indirect_dma source(%arg18 : memref<64x128xf32, #tpu.memory_space<vmem>>) target(%dma_start3A_194 : memref<10000x128xf32, #tpu.memory_space<vmem_shared>>) offsets(%arg15 : memref<64xi32, #tpu.memory_space<vmem>>) semaphore(%arg21 : memref<!tpu.dma_semaphore, #tpu.memory_space<semaphore_mem>>) {add = true}
        %add3A_195 = arith.constant 2 : i32
        %add3A_196 = arith.addi %add3A_154, %add3A_195 : i32
        %lt3A_197 = arith.cmpi slt, %add3A_196, %select_n3A : i32
        %convert_element_type3A_198 = arith.extui %lt3A_197 : i1 to i32
        %cond3A_199 = arith.constant 0 : i32
        %cond3A_200 = arith.cmpi ne, %convert_element_type3A_198, %cond3A_199 : i32
        scf.if %cond3A_200 {
          %add3A_201 = arith.constant 2 : i32
          %add3A_202 = arith.addi %add3A_154, %add3A_201 : i32
          %mul3A_203 = arith.constant 32 : i32
          %mul3A_204 = arith.muli %add3A_202, %mul3A_203 : i32
          %add3A_205 = arith.addi %add3A, %mul3A_204 : i32
          %mul3A_206 = arith.constant 64 : i32
          %mul3A_207 = arith.muli %add3A_205, %mul3A_206 : i32
          %dma_wait3A_208 = arith.constant 0 : i32
          %dma_wait3A_209 = tpu.memref_slice %arg2[%dma_wait3A_208, %mul3A_207] : memref<2x320000xi32, #tpu.memory_space<hbm>> -> memref<1x64xi32, #tpu.memory_space<hbm>>
          %dma_wait3A_210 = tpu.memref_squeeze %dma_wait3A_209 : memref<1x64xi32, #tpu.memory_space<hbm>> -> memref<64xi32, #tpu.memory_space<hbm>>
          %dma_wait3A_211 = tpu.memref_slice %arg2[%dma_wait3A_208, %mul3A_207] : memref<2x320000xi32, #tpu.memory_space<hbm>> -> memref<1x64xi32, #tpu.memory_space<hbm>>
          %dma_wait3A_212 = tpu.memref_squeeze %dma_wait3A_211 : memref<1x64xi32, #tpu.memory_space<hbm>> -> memref<64xi32, #tpu.memory_space<hbm>>
          tpu.wait_dma2 semaphore(%arg20 : memref<!tpu.dma_semaphore, #tpu.memory_space<semaphore_mem>>) src(%dma_wait3A_212 : memref<64xi32, #tpu.memory_space<hbm>>) dst(%arg11 : memref<64xi32, #tpu.memory_space<vmem>>)
          %dma_wait3A_213 = arith.constant 1 : i32
          %dma_wait3A_214 = tpu.memref_slice %arg2[%dma_wait3A_213, %mul3A_207] : memref<2x320000xi32, #tpu.memory_space<hbm>> -> memref<1x64xi32, #tpu.memory_space<hbm>>
          %dma_wait3A_215 = tpu.memref_squeeze %dma_wait3A_214 : memref<1x64xi32, #tpu.memory_space<hbm>> -> memref<64xi32, #tpu.memory_space<hbm>>
          %dma_wait3A_216 = tpu.memref_slice %arg2[%dma_wait3A_213, %mul3A_207] : memref<2x320000xi32, #tpu.memory_space<hbm>> -> memref<1x64xi32, #tpu.memory_space<hbm>>
          %dma_wait3A_217 = tpu.memref_squeeze %dma_wait3A_216 : memref<1x64xi32, #tpu.memory_space<hbm>> -> memref<64xi32, #tpu.memory_space<hbm>>
          tpu.wait_dma2 semaphore(%arg20 : memref<!tpu.dma_semaphore, #tpu.memory_space<semaphore_mem>>) src(%dma_wait3A_217 : memref<64xi32, #tpu.memory_space<hbm>>) dst(%arg12 : memref<64xi32, #tpu.memory_space<vmem>>)
          %dma_start3A_218 = arith.constant 0 : i32
          %dma_start3A_219 = arith.constant 0 : i32
          %dma_start3A_220 = tpu.memref_slice %arg4[%dma_start3A_218, %dma_start3A_219] : memref<10000x128xf32, #tpu.memory_space<hbm>> -> memref<10000x128xf32, #tpu.memory_space<hbm>>
          tpu.enqueue_indirect_dma source(%dma_start3A_220 : memref<10000x128xf32, #tpu.memory_space<hbm>>) target(%arg13 : memref<64x128xf32, #tpu.memory_space<vmem>>) offsets(%arg12 : memref<64xi32, #tpu.memory_space<vmem>>) semaphore(%arg23 : memref<!tpu.dma_semaphore, #tpu.memory_space<semaphore_mem>>)
        } else {
        }
      } else {
      }
      %scan3A_166 = arith.constant 0 : i32
      scf.yield %scan3A_166 : i32
    }
    %scan3A_118 = arith.constant 54 : i32
    %barrier3A_119 = arith.constant 0 : index
    tpu.barrier barrier_id(%barrier3A_119)
    %mul3A_120 = arith.constant 624 : i32
    %mul3A_121 = arith.muli %arg1, %mul3A_120 : i32
    %mul3A_122 = arith.constant 624 : i32
    %mul3A_123 = arith.muli %arg1, %mul3A_122 : i32
    "tpu.region"() ({
      %run_scoped3A = tpu.sem_alloc : memref<!tpu.dma_semaphore, #tpu.memory_space<semaphore_mem>>
      %dma_start3A_126 = arith.constant 0 : i32
      %dma_start3A_127 = tpu.memref_slice %arg5[%arg0, %mul3A_123, %dma_start3A_126] : memref<2x10000x128xf32, #tpu.memory_space<hbm>> -> memref<1x624x128xf32, #tpu.memory_space<hbm>>
      %dma_start3A_128 = tpu.memref_squeeze %dma_start3A_127 : memref<1x624x128xf32, #tpu.memory_space<hbm>> -> memref<624x128xf32, #tpu.memory_space<hbm>>
      %dma_start3A_129 = arith.constant 0 : i32
      %dma_start3A_130 = tpu.memref_slice %arg6[%mul3A_121, %dma_start3A_129] : memref<10000x128xf32, #tpu.memory_space<vmem_shared>> -> memref<624x128xf32, #tpu.memory_space<vmem_shared>>
      tpu.enqueue_dma source(%dma_start3A_130 : memref<624x128xf32, #tpu.memory_space<vmem_shared>>) target(%dma_start3A_128 : memref<624x128xf32, #tpu.memory_space<hbm>>) target_semaphore(%run_scoped3A : memref<!tpu.dma_semaphore, #tpu.memory_space<semaphore_mem>>)
      %dma_wait3A_131 = arith.constant 0 : i32
      %dma_wait3A_132 = tpu.memref_slice %arg5[%arg0, %mul3A_123, %dma_wait3A_131] : memref<2x10000x128xf32, #tpu.memory_space<hbm>> -> memref<1x624x128xf32, #tpu.memory_space<hbm>>
      %dma_wait3A_133 = tpu.memref_squeeze %dma_wait3A_132 : memref<1x624x128xf32, #tpu.memory_space<hbm>> -> memref<624x128xf32, #tpu.memory_space<hbm>>
      %dma_wait3A_134 = arith.constant 0 : i32
      %dma_wait3A_135 = tpu.memref_slice %arg6[%mul3A_121, %dma_wait3A_134] : memref<10000x128xf32, #tpu.memory_space<vmem_shared>> -> memref<624x128xf32, #tpu.memory_space<vmem_shared>>
      tpu.wait_dma2 semaphore(%run_scoped3A : memref<!tpu.dma_semaphore, #tpu.memory_space<semaphore_mem>>) src(%dma_wait3A_135 : memref<624x128xf32, #tpu.memory_space<vmem_shared>>) dst(%dma_wait3A_133 : memref<624x128xf32, #tpu.memory_space<hbm>>)
      tpu.yield
    }) : () -> ()
    %eq3A = arith.constant 15 : i32
    %eq3A_124 = arith.cmpi eq, %arg1, %eq3A : i32
    %convert_element_type3A = arith.extui %eq3A_124 : i1 to i32
    %cond3A = arith.constant 0 : i32
    %cond3A_125 = arith.cmpi ne, %convert_element_type3A, %cond3A : i32
    scf.if %cond3A_125 {
      "tpu.region"() ({
        %run_scoped3A = tpu.sem_alloc : memref<!tpu.dma_semaphore, #tpu.memory_space<semaphore_mem>>
        %dma_start3A_126 = arith.constant 9984 : i32
        %dma_start3A_127 = arith.constant 0 : i32
        %dma_start3A_128 = tpu.memref_slice %arg5[%arg0, %dma_start3A_126, %dma_start3A_127] : memref<2x10000x128xf32, #tpu.memory_space<hbm>> -> memref<1x16x128xf32, #tpu.memory_space<hbm>>
        %dma_start3A_129 = tpu.memref_squeeze %dma_start3A_128 : memref<1x16x128xf32, #tpu.memory_space<hbm>> -> memref<16x128xf32, #tpu.memory_space<hbm>>
        %dma_start3A_130 = arith.constant 9984 : i32
        %dma_start3A_131 = arith.constant 0 : i32
        %dma_start3A_132 = tpu.memref_slice %arg6[%dma_start3A_130, %dma_start3A_131] : memref<10000x128xf32, #tpu.memory_space<vmem_shared>> -> memref<16x128xf32, #tpu.memory_space<vmem_shared>>
        tpu.enqueue_dma source(%dma_start3A_132 : memref<16x128xf32, #tpu.memory_space<vmem_shared>>) target(%dma_start3A_129 : memref<16x128xf32, #tpu.memory_space<hbm>>) target_semaphore(%run_scoped3A : memref<!tpu.dma_semaphore, #tpu.memory_space<semaphore_mem>>)
        %dma_wait3A_133 = arith.constant 9984 : i32
        %dma_wait3A_134 = arith.constant 0 : i32
        %dma_wait3A_135 = tpu.memref_slice %arg5[%arg0, %dma_wait3A_133, %dma_wait3A_134] : memref<2x10000x128xf32, #tpu.memory_space<hbm>> -> memref<1x16x128xf32, #tpu.memory_space<hbm>>
        %dma_wait3A_136 = tpu.memref_squeeze %dma_wait3A_135 : memref<1x16x128xf32, #tpu.memory_space<hbm>> -> memref<16x128xf32, #tpu.memory_space<hbm>>
        %dma_wait3A_137 = arith.constant 9984 : i32
        %dma_wait3A_138 = arith.constant 0 : i32
        %dma_wait3A_139 = tpu.memref_slice %arg6[%dma_wait3A_137, %dma_wait3A_138] : memref<10000x128xf32, #tpu.memory_space<vmem_shared>> -> memref<16x128xf32, #tpu.memory_space<vmem_shared>>
        tpu.wait_dma2 semaphore(%run_scoped3A : memref<!tpu.dma_semaphore, #tpu.memory_space<semaphore_mem>>) src(%dma_wait3A_139 : memref<16x128xf32, #tpu.memory_space<vmem_shared>>) dst(%dma_wait3A_136 : memref<16x128xf32, #tpu.memory_space<hbm>>)
        tpu.yield
      }) : () -> ()
    } else {
    }
    return
  }
}

module attributes {stable_mosaic.version = 14 : i64} {
  func.func @_combine_body(%arg0: i32, %arg1: memref<2000x128xf32, #tpu.memory_space<vmem>>, %arg2: memref<1x2000x128xf32, #tpu.memory_space<vmem>>, %arg3: memref<1x2000x128xf32, #tpu.memory_space<vmem>>, %arg4: memref<2000x128xf32, #tpu.memory_space<vmem>>) attributes {dimension_semantics = [#tpu.dimension_semantics<arbitrary>], iteration_bounds = array<i64: 5>, scalar_prefetch = 0 : i64, scratch_operands = 0 : i64, tpu.core_type = #tpu.core_type<tc>, window_params = [{transform_indices = @transform_0, window_bounds = array<i64: 2000, 128>}, {transform_indices = @transform_1, window_bounds = array<i64: 1, 2000, 128>}, {transform_indices = @transform_2, window_bounds = array<i64: 1, 2000, 128>}, {transform_indices = @transform_3, window_bounds = array<i64: 2000, 128>}]} {
    %get3A = arith.constant 0 : index
    %get3A_0 = arith.constant 0 : index
    %get3A_1 = vector.load %arg1[%get3A, %get3A_0] : memref<2000x128xf32, #tpu.memory_space<vmem>>, vector<2000x128xf32>
    %get3A_2 = arith.constant 0 : index
    %get3A_3 = arith.constant 0 : index
    %get3A_4 = arith.constant 0 : index
    %get3A_5 = vector.load %arg2[%get3A_2, %get3A_3, %get3A_4] : memref<1x2000x128xf32, #tpu.memory_space<vmem>>, vector<1x2000x128xf32>
    %get3A_6 = vector.shape_cast %get3A_5 : vector<1x2000x128xf32> to vector<2000x128xf32>
    %add3A = arith.constant 1.000000e+00 : f32
    %add3A_7 = vector.broadcast %add3A : f32 to vector<2000x128xf32>
    %add3A_8 = arith.addf %add3A_7, %get3A_6 : vector<2000x128xf32>
    %get3A_9 = arith.constant 0 : index
    %get3A_10 = arith.constant 0 : index
    %get3A_11 = arith.constant 0 : index
    %get3A_12 = vector.load %arg3[%get3A_9, %get3A_10, %get3A_11] : memref<1x2000x128xf32, #tpu.memory_space<vmem>>, vector<1x2000x128xf32>
    %get3A_13 = vector.shape_cast %get3A_12 : vector<1x2000x128xf32> to vector<2000x128xf32>
    %add3A_14 = arith.addf %add3A_8, %get3A_13 : vector<2000x128xf32>
    %mul3A = arith.mulf %get3A_1, %add3A_14 : vector<2000x128xf32>
    %swap3A = arith.constant 0 : index
    %swap3A_15 = arith.constant 0 : index
    %swap3A_16 = vector.load %arg4[%swap3A, %swap3A_15] : memref<2000x128xf32, #tpu.memory_space<vmem>>, vector<2000x128xf32>
    tpu.vector_store %arg4[%swap3A, %swap3A_15], %mul3A {strides = array<i32>} : memref<2000x128xf32, #tpu.memory_space<vmem>>, vector<2000x128xf32>,
    return
  }
  func.func @transform_0(%arg0: i32) -> (i32, i32) {
    %c0_i32 = arith.constant 0 : i32
    %c0_i32_0 = arith.constant 0 : i32
    return %arg0, %c0_i32 : i32, i32
  }
  func.func @transform_1(%arg0: i32) -> (i32, i32, i32) {
    %c0_i32 = arith.constant 0 : i32
    %c0_i32_0 = arith.constant 0 : i32
    %c0_i32_1 = arith.constant 0 : i32
    return %c0_i32, %arg0, %c0_i32_0 : i32, i32, i32
  }
  func.func @transform_2(%arg0: i32) -> (i32, i32, i32) {
    %c1_i32 = arith.constant 1 : i32
    %c0_i32 = arith.constant 0 : i32
    %c0_i32_0 = arith.constant 0 : i32
    return %c1_i32, %arg0, %c0_i32 : i32, i32, i32
  }
  func.func @transform_3(%arg0: i32) -> (i32, i32) {
    %c0_i32 = arith.constant 0 : i32
    %c0_i32_0 = arith.constant 0 : i32
    return %arg0, %c0_i32 : i32, i32
  }
}

</mosaic_0001>

<sc_bundles>
// kernel: kernel.4.cloned.1.call-start
scs
__scs_entry_jumppad:
0x0: {  	(pc) =	sbr.rel $0x88, $3  }
0x1: {  	(tag) =	ssettag $0x0;
	lr =	simm.s32 $0x1  }
0x2: {  	[smem:$0x3F9E] =	sst lr;
	_ =	strace $0xD0000000  }
0x3: {  	_ = 	snop  }
0x4: {  	_ = 	snop  }
0x5: {  	_ = 	snop  }
0x6: {  	_ = 	snop  }
0x7: {  	_ = 	snop  }
__scs_overlays_trampoline_lowered:
0x8: {  	[smem:$0x3FAD] =	sst s0  }
0x9: {  	[smem:$0x3FAE] =	sst s1  }
0xa: {  	[smem:$0x3FAF] =	sst s2  }
0xb: {  	[smem:$0x3FB0] =	sst s3  }
0xc: {  	[smem:$0x3FB1] =	sst s4  }
0xd: {  	[smem:$0x3FB2] =	sst s5  }
0xe: {  	[smem:$0x3FB3] =	sst s6  }
0xf: {  	[smem:$0x3FB4] =	sst s7  }
0x10: {  	[smem:$0x3FB5] =	sst s8  }
0x11: {  	[smem:$0x3FB6] =	sst s9;
	s0 =	simm.s32 @!p0 $0x0  }
0x12: {  	s1 =	sld [smem:$0x3F9C];
	s0 =	simm.s32 @p0 $0x1  }
0x13: {  	[smem:$0x3FB7] =	sst s0;
	s0 =	simm.s32 @!p1 $0x0  }
0x14: {  	s2 =	sld [smem:$0x3F9B];
	s0 =	simm.s32 @p1 $0x1  }
0x15: {  	[smem:$0x3FB8] =	sst s0;
	s0 =	simm.s32 @!p2 $0x0  }
0x16: {  	s3 =	sld [smem:$0x3FDB];
	s0 =	simm.s32 @p2 $0x1  }
0x17: {  	s4 =	simm.s32 $0x1BF5;
	[smem:$0x3FBA] =	sst s0  }
0x18: {  	s0 =	sld [smem:$0x3F9D];
	_ =	swait.ge [sflag:s4], $0x0  }
0x19: {  	s7 =	sld [smem:$0x3F9E]  }
0x1a: {  	s8 =	sadd.s32 $0xFFFFE003, lr  }
0x1b: {  	s9 =	sadd.s32 $0xFFFFFEF7, lr;
	s5 =	simm.s32 $0xFFFFFFFF;
	p2 =	slt.u32 s8, $0xFFFFF086  }
0x1c: {  	p1 =	slt.u32 s9, $0xF7A;
	s5 =	simm.s32 @!p2 $0x0  }
0x1d: {  	s5 =	simm.s32 @p1 $0x1;
	p0 =	seq.s32 s7, s2  }
0x1e: {  	s7 =	smul.u32 @!p0 $0xF7A, s2;
	p2 =	seq.s32 @!p0 s5, $0x0  }
0x1f: {  	s9 =	smul.u32 $0xF7A, s1;
	s8 =	simm.s32 @!p0 $0x1BF5;
	p2 =	por !p2, p0  }
0x20: {  	[sflag:s8] =	ssyncset.s32 @!p0 $0xFFFFF086;
	s6 =	sadd.s32 @!p0 s3, s7;
	s7 =	simm.s32 @!p0 $0x108  }
0x21: {  	s3 =	sadd.s32 s3, s9;
	s6 =	sadd.s32 @!p0 $0x88, s6;
	s7 =	simm.s32 @p2 $0x1082  }
0x22: {  	[simem:s7], [sflag:s8] =	dma.local @!p0 [hbm:s6], $0xF7A  }
0x23: {  	s9 =	sor.u32 $0xD0000000, s2;
	s6 =	simm.s32 $0x108;
	_ =	swait.ge @!p0 [sflag:s8], $0x0  }
0x24: {  	s3 =	sadd.s32 $0x88, s3;
	s6 =	simm.s32 @!p1 $0x1082;
	[sflag:s4] =	ssyncset.s32 $0xFFFFF086  }
0x25: {  	[simem:s6], [sflag:s4] =	dma.local [hbm:s3], $0xF7A  }
0x26: {  	[smem:$0x3F9E] =	sst s1;
	(tag) =	ssettag s2;
	_ =	strace s9  }
0x27: {  	s1 =	sld [smem:$0x3FAE]  }
0x28: {  	s2 =	sld [smem:$0x3FAF]  }
0x29: {  	s4 =	sld [smem:$0x3FB1]  }
0x2a: {  	p0 =	seq.s32 s5, $0x0;
	s5 =	sld [smem:$0x3FB2]  }
0x2b: {  	s6 =	sld [smem:$0x3FB3]  }
0x2c: {  	s7 =	sld [smem:$0x3FB4]  }
0x2d: {  	s3 =	simm.s32 $0x108;
	s8 =	sld [smem:$0x3FB5]  }
0x2e: {  	s3 =	simm.s32 @!p0 $0x1082;
	s9 =	sld [smem:$0x3FB6]  }
0x2f: {  	lr =	sadd.s32 s0, s3;
	s0 =	sld [smem:$0x3FAD]  }
0x30: {  	s3 =	sld [smem:$0x3FB0]  }
0x31: {  	[smem:$0x3FB9] =	sst s10  }
0x32: {  	s10 =	sld [smem:$0x3FB7];
	_ =	sdelay $0x3  }
0x33: {  	p0 =	seq.s32 s10, $0x1;
	s10 =	sld [smem:$0x3FB9];
	_ =	sdelay $0x3  }
0x34: {  	[smem:$0x3FB9] =	sst s10  }
0x35: {  	s10 =	sld [smem:$0x3FB8];
	_ =	sdelay $0x3  }
0x36: {  	p1 =	seq.s32 s10, $0x1;
	s10 =	sld [smem:$0x3FB9];
	_ =	sdelay $0x3  }
0x37: {  	[smem:$0x3FB9] =	sst s10  }
0x38: {  	s10 =	sld [smem:$0x3FBA]  }
0x39: {  	_ = 	snop;
	(pc) =	sbr.ind lr, $3  }
0x3a: {  	_ = 	snop  }
0x3b: {  	_ = 	snop  }
0x3c: {  	p2 =	seq.s32 s10, $0x1;
	s10 =	sld [smem:$0x3FB9]  }
0x3d: {  	_ =	shalt  }
0x3e: {  	_ =	shalt  }
0x3f: {  	_ =	shalt  }
0x40: {  	_ =	shalt  }
0x41: {  	_ =	shalt  }
0x42: {  	_ =	shalt  }
0x43: {  	_ =	shalt  }
0x44: {  	_ =	shalt  }
0x45: {  	_ =	shalt  }
0x46: {  	_ =	shalt  }
0x47: {  	_ =	shalt  }
0x48: {  	_ =	shalt  }
0x49: {  	_ =	shalt  }
0x4a: {  	_ =	shalt  }
0x4b: {  	_ =	shalt  }
0x4c: {  	_ =	shalt  }
0x4d: {  	_ =	shalt  }
0x4e: {  	_ =	shalt  }
0x4f: {  	_ =	shalt  }
0x50: {  	_ =	shalt  }
0x51: {  	_ =	shalt  }
0x52: {  	_ =	shalt  }
0x53: {  	_ =	shalt  }
0x54: {  	_ =	shalt  }
0x55: {  	_ =	shalt  }
0x56: {  	_ =	shalt  }
0x57: {  	_ =	shalt  }
0x58: {  	_ =	shalt  }
0x59: {  	_ =	shalt  }
0x5a: {  	_ =	shalt  }
0x5b: {  	_ =	shalt  }
0x5c: {  	_ =	shalt  }
0x5d: {  	_ =	shalt  }
0x5e: {  	_ =	shalt  }
0x5f: {  	_ =	shalt  }
0x60: {  	_ =	shalt  }
0x61: {  	_ =	shalt  }
0x62: {  	_ =	shalt  }
0x63: {  	_ =	shalt  }
0x64: {  	_ =	shalt  }
0x65: {  	_ =	shalt  }
0x66: {  	_ =	shalt  }
0x67: {  	_ =	shalt  }
0x68: {  	_ =	shalt  }
0x69: {  	_ =	shalt  }
0x6a: {  	_ =	shalt  }
0x6b: {  	_ =	shalt  }
0x6c: {  	_ =	shalt  }
0x6d: {  	_ =	shalt  }
0x6e: {  	_ =	shalt  }
0x6f: {  	_ =	shalt  }
0x70: {  	_ =	shalt  }
0x71: {  	_ =	shalt  }
0x72: {  	_ =	shalt  }
0x73: {  	_ =	shalt  }
0x74: {  	_ =	shalt  }
0x75: {  	_ =	shalt  }
0x76: {  	_ =	shalt  }
0x77: {  	_ =	shalt  }
0x78: {  	_ =	shalt  }
0x79: {  	_ =	shalt  }
0x7a: {  	_ =	shalt  }
0x7b: {  	_ =	shalt  }
0x7c: {  	_ =	shalt  }
0x7d: {  	_ =	shalt  }
0x7e: {  	_ =	shalt  }
0x7f: {  	_ =	shalt  }
0x80: {  	_ =	shalt  }
0x81: {  	_ =	shalt  }
0x82: {  	_ =	shalt  }
0x83: {  	_ =	shalt  }
0x84: {  	_ =	shalt  }
0x85: {  	_ =	shalt  }
0x86: {  	_ =	shalt  }
0x87: {  	_ =	shalt  }
.Lfunc_end0:
.L_simem_size_0:
called_computation_lowered:
.L_overlay_start_0:
0x88: {  	s2 =	sld [smem:$0x3FD9]  }
0x89: {  	s3 =	sld [smem:$0x3FFE];
	_ =	sdelay $0x1  }
0x8a: {  	s1 =	srdreg.scid  }
0x8b: {  	s0 =	sand.u32 $0x1, s1  }
0x8c: {  	s17 =	sshll.u32 s0, $0xA;
	s2 =	sadd.s32 s3, s2  }
0x8d: {  	s2 =	sadd.s32 s2, s17  }
0x8e: {  	[smem:$0x3FC5] =	sst s2  }
0x8f: {  	_ = 	snop  }
0x90: {  	s2 =	sld [smem:$0x3FC9]  }
0x91: {  	s18 =	sld [smem:$0x3FC8]  }
0x92: {  	s4 =	sld [smem:$0x3FC7];
	(tm) =	ssettm $0x1  }
0x93: {  	s5 =	sld [smem:$0x3FFB];
	_ =	sdelay $0x3  }
0x94: {  	_ =	strace s5  }
0x95: {  	s5 =	sld [smem:$0x3FFC];
	_ =	sdelay $0x3  }
0x96: {  	_ =	strace s5  }
0x97: {  	s5 =	sld [smem:$0x3FFD];
	_ =	sdelay $0x3  }
0x98: {  	_ =	strace s5  }
0x99: {  	_ =	strace $0x8FFFFFFF  }
0x9a: {  	s19 =	sld [smem:$0x3FDB];
	_ =	sdelay $0x1  }
0x9b: {  	s6 =	simm.s32 $_scs_section_size  }
0x9c: {  	s7 =	simm.s32 $_size__tile_overlayer_lowered;
	s8 =	simm.s32 $_tile_overlayer_lowered  }
0x9d: {  	s22 =	simm.s32 $0x1BFF;
	s21 =	sshll.u32 s8, $0x1;
	s5 =	sadd.s32 s6, s19  }
0x9e: {  	s9 =	simm.s32 $0x0;
	s20 =	sshll.u32 s7, $0x1;
	s7 =	sadd.s32 s21, s5  }
0x9f: {  	[timem:s9], [sflag:s22] =	dma.local [hbm:s7], s20  }
0xa0: {  	_ =	swait.ge [sflag:s22], s20  }
0xa1: {  	s6 =	ssub.s32 $0x0, s20;
	[sflag:s22] =	ssyncset.done $0x0  }
0xa2: {  	[sflag:s22] =	ssyncadd.s32 s6;
	_ =	sdelay $0x1  }
0xa3: {  	s23 =	simm.s32 $0x1B8B  }
0xa4: {  	_ =	swait.ge [sflag:s23], $0x1  }
0xa5: {  	[sflag:s23] =	ssyncset.done $0x0  }
0xa6: {  	s25 =	simm.s32 $0x1B8E;
	s24 =	sld [smem:$0x3FFE];
	[sflag:s23] =	ssyncadd.s32 $0xFFFFFFFF  }
0xa7: {  	s26 =	simm.s32 $execute0_lowered;
	[smem:$0x3FD2] =	sst s25  }
0xa8: {  	s7 =	sshll.u32 s26, $0x1;
	_ =	strace $0x80000046;
	[dreg:$0x1] =	wrdreg $0xFFFFFFFF  }
0xa9: {  	s28 =	simm.s32 $_size_execute0_lowered;
	s5 =	sadd.s32 s5, s7;
	[dreg:$0x0] =	wrdreg $0x0  }
0xaa: {  	s7 =	sshll.u32 s28, $0x1;
	[dreg:$0x2] =	wrdreg s5  }
0xab: {  	[dreg:$0x3] =	wrdreg s7  }
0xac: {  	[dreg:$0x4] =	wrdreg $0xC0  }
0xad: {  	_ =	task [dreg:s9], $0x5FFFF  }
0xae: {  	[dreg:$0x1] =	wrdreg $0xFFFFFFFF  }
0xaf: {  	[dreg:$0x0] =	wrdreg $0x60  }
0xb0: {  	[dreg:$0x2] =	wrdreg s18  }
0xb1: {  	[dreg:$0x3] =	wrdreg s4  }
0xb2: {  	[dreg:$0x4] =	wrdreg s2  }
0xb3: {  	[dreg:$0x5] =	wrdreg s24  }
0xb4: {  	[dreg:$0x6] =	wrdreg $0x0  }
0xb5: {  	[dreg:$0x7] =	wrdreg $0x9  }
0xb6: {  	_ =	task.clear_ibuf [dreg:s9], $0x8FFFF;
	_ =	strace $0x90000046  }
0xb7: {  	s29 =	simm.s32 $0x9;
	_ =	strace $0x80000048  }
0xb8: {  	_ =	swait.ge [sflag:s29], $0x1  }
0xb9: {  	[sflag:s29] =	ssyncadd.s32 $0xFFFFFFFF  }
0xba: {  	_ =	strace $0x90000048  }
0xbb: {  	_ =	sfence  }
0xbc: {  	s30 =	sld [smem:$0x0];
	_ =	sdelay $0x2  }
0xbd: {  	s31 =	sshll.u32 s1, $0xD;
	s1 =	sshrl.u32 s1, $0x2  }
0xbe: {  	s3 =	sand.u32 $0x4000, s31;
	s1 =	sadd.s32 s1, s30  }
0xbf: {  	s0 =	sor.u32 s3, s0;
	s1 =	sshll.u32 s1, $0x11  }
0xc0: {  	s0 =	sor.u32 s1, s0  }
0xc1: {  	s0 =	sadd.s32 $0x8F2B, s0  }
0xc2: {  	[sflag:s0] =	ssyncadd.remote.s32 $0x1  }
0xc3: {  	_ =	sfence.sel $0xFFFF  }
0xc4: {  	[dreg:$0x0] =	wrdreg $0xFFFFFFFF;
	(pc) =	sbr.abs _section_cstart, $3  }
0xc5: {  	[dreg:$0x1] =	wrdreg $0xFFFFFFFF  }
0xc6: {  	_ =	task.clear_ibuf [dreg:s9], $0x2FFFF;
	_ =	strace $0x9FFFFFFF  }
0xc7: {  	(tm) =	ssettm $0x7FFFFFFF  }
tec
execute0_lowered:
.L_overlay_start_1:
0x0: {  	(tag) =	ssettag $0x1  }
0x1: {  	s1 =	rddreg [dreg:$0x0]  }
0x2: {  	s2 =	rddreg [dreg:$0x1]  }
0x3: {  	s3 =	rddreg [dreg:$0x2]  }
0x4: {  	s0 =	rddreg [dreg:$0x3]  }
0x5: {  	s4 =	rddreg [dreg:$0x4];
	s6 =	simm.s32 $0x0;
	s5 =	srdreg.scid  }
0x6: {  	s28 =	simm.s32 $0x15980;
	s30 =	simm.s32 $0x40;
	[smem:$0x7FF] =	sst s6  }
0x7: {  	s5 =	sand.u32 $0x1, s5;
	s0 =	sadd.s32 $0x800, s0;
	s6 =	stileid.u32  }
0x8: {  	s7 =	ssub.s32 $0x2, s5;
	s9 =	sshll.u32 s5, $0x4;
	s5 =	smul.u32 $0x138800, s5  }
0x9: {  	_ =	strace $0x80000047;
	s11 =	sshll.u32 s6, $0x6;
	s21 =	smul.u32 $0x13800, s6  }
0xa: {  	s23 =	smul.u32 $0x4E000, s6;
	s29 =	sshll.u32 s6, $0xA;
	p0 =	sne.s32 s6, $0xF  }
0xb: {  	s8 =	sshrl.u32 s7, $0x1;
	s10 =	sor.u32 s6, s9;
	[dreg:$0x6] =	wrdreg s11  }
0xc: {  	s11 =	sand.u32 $0x40, s11;
	s7 =	ssub.s32 s7, s8;
	s15 =	ssub.s32 $0x13A7, s10  }
0xd: {  	s9 =	sshll.u32 s10, $0x7;
	s24 =	sadd.s32 s21, s5;
	s25 =	sshrl.u32 s23, $0x2  }
0xe: {  	s5 =	sshrl.u32 s5, $0x3;
	s23 =	simm.s32 $0x13880;
	s8 =	sshrl.u32 s15, $0x5  }
0xf: {  	s12 =	sand.u32 $0xF00, s9;
	s9 =	sor.u32 s11, s9;
	s26 =	sadd.s32 s25, s4  }
0x10: {  	s7 =	smax.u32 s7, $0x1;
	s15 =	simm.s32 $0x7;
	s11 =	sor.u32 s11, s12  }
0x11: {  	s16 =	sshrl.u32 s9, $0x3;
	s9 =	sshll.u32 s10, $0x6;
	s10 =	sshll.u32 s10, $0xA  }
0x12: {  	[dreg:$0xf] =	wrdreg s7;
	s21 =	sadd.s32 $0xFFFFFFFF, s8;
	s31 =	sshrl.u32 s26, $0x3  }
0x13: {  	s7 =	simm.s32 $0x2;
	s26 =	simm.s32 $0x1DB80;
	s11 =	sshrl.u32 s11, $0x3  }
0x14: {  	s12 =	sor.u32 $0x10, s16;
	s13 =	sor.u32 $0x800, s9;
	s10 =	sadd.s32 s2, s10  }
0x15: {  	[dreg:$0x11] =	wrdreg s31;
	s16 =	simm.s32 $0x5;
	s11 =	sadd.s32 s1, s11  }
0x16: {  	s17 =	sadd.s32 s1, s12;
	s18 =	sshll.u32 s13, $0x1;
	s12 =	sand.u32 $0x40, s9  }
0x17: {  	[dreg:$0x9] =	wrdreg s10;
	s22 =	sshll.u32 s13, $0x4;
	s14 =	sand.u32 $0x1F00, s18  }
0x18: {  	[dreg:$0x7] =	wrdreg s11;
	s11 =	sor.u32 s12, s18;
	s19 =	sor.u32 s12, s14  }
0x19: {  	s13 =	simm.s32 $0x6;
	s11 =	sshrl.u32 s11, $0x3;
	s10 =	sshrl.u32 s19, $0x3  }
0x1a: {  	[dreg:$0x8] =	wrdreg s17;
	s20 =	sor.u32 $0x10, s11;
	s10 =	sadd.s32 s1, s10  }
0x1b: {  	s17 =	ssub.s32 $0x4E2, s6;
	[dreg:$0xa] =	wrdreg s10;
	s10 =	sadd.s32 s1, s20  }
0x1c: {  	s18 =	simm.s32 $0x8;
	[dreg:$0xb] =	wrdreg s10;
	s10 =	sadd.s32 s2, s22  }
0x1d: {  	s14 =	simm.s32 $0x4;
	[dreg:$0xc] =	wrdreg s10;
	s10 =	sshrl.u32 s24, $0x3  }
.Ltmp0:
0x1e: {  	s10 =	sadd.s32 s0, s10;
	s0 =	sadd.s32 s0, s5;
	(pc) =	sbr.rel .LBB2_1-.Ltmp0, $4  }
0x1f: {  	s11 =	simm.s32 $0x3;
	[dreg:$0xd] =	wrdreg s10;
	s0 =	sadd.s32 $0x27000, s0  }
0x20: {  	s5 =	sadd.s32 s29, s4;
	[dreg:$0xe] =	wrdreg s0;
	s0 =	sadd.s32 $0x138000, s4  }
0x21: {  	s20 =	simm.s32 $0x0;
	[dreg:$0x10] =	wrdreg s5;
	s0 =	sshrl.u32 @!p0 s0, $0x3  }
0x22: {  	v0 =	vimm.f32 $0.0e+00;
	s10 =	simm.s32 $0x19A80;
	[dreg:$0x12] =	wrdreg s0;
	s0 =	simm.s32 $0x17980  }
.LBB2_19:
0x23: {  	[bflag:$0x0] =	sbarrier.arrive $0xFFFF  }
0x24: {  	s5 =	rddreg [dreg:$0x6]  }
0x25: {  	s19 =	rddreg [dreg:$0xd]  }
0x26: {  	s25 =	simm.s32 $0x9;
	s20 =	rddreg [dreg:$0x11];
	s5 =	sor.u32 $0x1C09, s5  }
0x27: {  	[hbm:s19], [sflag:s5] =	dma.local [spmem:s20], $0x2700  }
0x28: {  	_ =	swait.ge [sflag:s25], $0x2700  }
0x29: {  	[sflag:s25] =	ssyncset.done $0x0;
	s19 =	rddreg [dreg:$0xe]  }
0x2a: {  	s20 =	rddreg [dreg:$0x12];
	[sflag:s25] =	ssyncadd.s32 $0xFFFFD900  }
0x2b: {  	[hbm:s19], [sflag:s5] =	dma.local @!p0 [spmem:s20], $0x100  }
0x2c: {  	s5 =	simm.s32 @!p0 $0x9  }
0x2d: {  	_ =	swait.ge @!p0 [sflag:s5], $0x100  }
0x2e: {  	s29 =	rddreg [dreg:$0x13]  }
0x2f: {  	s31 =	rddreg [dreg:$0xf];
	s20 =	sadd.s32 $0x1, s29  }
0x30: {  	p1 =	sne.s32 s20, s31  }
.Ltmp1:
0x31: {  	_ = 	snop;
	(pc) =	sbr.rel @!p1 .LBB2_20-.Ltmp1, $3  }
0x32: {  	_ =	sdelay $0x1  }
0x33: {  	[sflag:s5] =	ssyncset.done @!p0 $0x0  }
0x34: {  	[sflag:s5] =	ssyncadd.s32 @!p0 $0xFFFFFF00  }
.LBB2_1:
0x35: {  	[tilespmem:$0x1FB80] =	vst v0  }
0x36: {  	[tilespmem:$0x1FB90] =	vst v0  }
0x37: {  	[tilespmem:$0x1FBA0] =	vst v0  }
0x38: {  	[tilespmem:$0x1FBB0] =	vst v0  }
0x39: {  	[tilespmem:$0x1FBC0] =	vst v0  }
0x3a: {  	[tilespmem:$0x1FBD0] =	vst v0  }
0x3b: {  	[tilespmem:$0x1FBE0] =	vst v0  }
0x3c: {  	[tilespmem:$0x1FBF0] =	vst v0  }
0x3d: {  	[tilespmem:$0x1FC00] =	vst v0  }
0x3e: {  	[tilespmem:$0x1FC10] =	vst v0  }
0x3f: {  	[tilespmem:$0x1FC20] =	vst v0  }
0x40: {  	[tilespmem:$0x1FC30] =	vst v0  }
0x41: {  	[tilespmem:$0x1FC40] =	vst v0  }
0x42: {  	[tilespmem:$0x1FC50] =	vst v0  }
0x43: {  	[tilespmem:$0x1FC60] =	vst v0  }
0x44: {  	[tilespmem:$0x1FC70] =	vst v0  }
0x45: {  	[tilespmem:$0x1FC80] =	vst v0  }
0x46: {  	[tilespmem:$0x1FC90] =	vst v0  }
0x47: {  	[tilespmem:$0x1FCA0] =	vst v0  }
0x48: {  	[tilespmem:$0x1FCB0] =	vst v0  }
0x49: {  	[tilespmem:$0x1FCC0] =	vst v0  }
0x4a: {  	[tilespmem:$0x1FCD0] =	vst v0  }
0x4b: {  	[tilespmem:$0x1FCE0] =	vst v0  }
0x4c: {  	[tilespmem:$0x1FCF0] =	vst v0  }
0x4d: {  	[tilespmem:$0x1FD00] =	vst v0  }
0x4e: {  	[tilespmem:$0x1FD10] =	vst v0  }
0x4f: {  	[tilespmem:$0x1FD20] =	vst v0  }
0x50: {  	[tilespmem:$0x1FD30] =	vst v0  }
0x51: {  	[tilespmem:$0x1FD40] =	vst v0  }
0x52: {  	[tilespmem:$0x1FD50] =	vst v0  }
0x53: {  	[tilespmem:$0x1FD60] =	vst v0  }
0x54: {  	[tilespmem:$0x1FD70] =	vst v0  }
0x55: {  	[tilespmem:$0x1FD80] =	vst v0  }
0x56: {  	[tilespmem:$0x1FD90] =	vst v0  }
0x57: {  	[tilespmem:$0x1FDA0] =	vst v0  }
0x58: {  	[tilespmem:$0x1FDB0] =	vst v0  }
0x59: {  	[tilespmem:$0x1FDC0] =	vst v0  }
0x5a: {  	[tilespmem:$0x1FDD0] =	vst v0  }
0x5b: {  	[tilespmem:$0x1FDE0] =	vst v0  }
0x5c: {  	[tilespmem:$0x1FDF0] =	vst v0  }
0x5d: {  	[tilespmem:$0x1FE00] =	vst v0  }
0x5e: {  	[tilespmem:$0x1FE10] =	vst v0  }
0x5f: {  	[tilespmem:$0x1FE20] =	vst v0  }
0x60: {  	[tilespmem:$0x1FE30] =	vst v0  }
0x61: {  	[tilespmem:$0x1FE40] =	vst v0  }
0x62: {  	[tilespmem:$0x1FE50] =	vst v0  }
0x63: {  	[tilespmem:$0x1FE60] =	vst v0  }
0x64: {  	[tilespmem:$0x1FE70] =	vst v0  }
0x65: {  	[tilespmem:$0x1FE80] =	vst v0  }
0x66: {  	[tilespmem:$0x1FE90] =	vst v0  }
0x67: {  	[tilespmem:$0x1FEA0] =	vst v0  }
0x68: {  	[tilespmem:$0x1FEB0] =	vst v0  }
0x69: {  	[tilespmem:$0x1FEC0] =	vst v0  }
0x6a: {  	[tilespmem:$0x1FED0] =	vst v0  }
0x6b: {  	[tilespmem:$0x1FEE0] =	vst v0  }
0x6c: {  	[tilespmem:$0x1FEF0] =	vst v0  }
0x6d: {  	[tilespmem:$0x1FF00] =	vst v0  }
0x6e: {  	[tilespmem:$0x1FF10] =	vst v0  }
0x6f: {  	[tilespmem:$0x1FF20] =	vst v0  }
0x70: {  	[tilespmem:$0x1FF30] =	vst v0  }
0x71: {  	[tilespmem:$0x1FF40] =	vst v0  }
0x72: {  	[tilespmem:$0x1FF50] =	vst v0  }
0x73: {  	[dreg:$0x13] =	wrdreg s20;
	[tilespmem:$0x1FF60] =	vst v0  }
0x74: {  	[tilespmem:$0x1FF70] =	vst v0;
	s5 =	simm.s32 $0x0;
	s19 =	rddreg [dreg:$0x7]  }
0x75: {  	[tilespmem:s23], [sflag:$0x1] =	stream.linear.gather [hbm4b:s19+s5], $0x40, $0x38;
	[tilespmem:$0x1FF80] =	vst v63  }
0x76: {  	s22 =	rddreg [dreg:$0x8];
	s24 =	simm.s32 $0x13900  }
0x77: {  	[tilespmem:s24], [sflag:$0x1] =	stream.linear.gather [hbm4b:s22+s5], $0x40, $0x38;
	[tilespmem:$0x1FF80] =	vst v63  }
0x78: {  	s25 =	rddreg [dreg:$0x9];
	s22 =	simm.s32 $0x1  }
0x79: {  	[tilespmem:s28], [sflag:$0x6] =	stream.linear.gather [hbm4b:s25+s5], $0x2000, $0x38;
	[tilespmem:$0x1FF80] =	vst v63  }
0x7a: {  	_ =	swait.ge [sflag:s22], $0x40  }
0x7b: {  	[sflag:s22] =	ssyncset.done $0x0  }
0x7c: {  	[sflag:s22] =	ssyncadd.s32 $0xFFFFFFC0  }
0x7d: {  	_ =	swait.ge [sflag:s22], $0x40  }
0x7e: {  	[sflag:s22] =	ssyncset.done $0x0  }
0x7f: {  	s29 =	simm.s32 $0x13980;
	[sflag:s22] =	ssyncadd.s32 $0xFFFFFFC0  }
0x80: {  	[tilespmem:s29], [sflag:$0x3] =	stream.indirect.gather [hbm4b:s3+s30], $0x80, s24, s30, $0xb8;
	[tilespmem:$0x1FF80] =	vst v63  }
0x81: {  	s31 =	rddreg [dreg:$0xa]  }
0x82: {  	[tilespmem:s0], [sflag:$0x1] =	stream.linear.gather [hbm4b:s31+s5], $0x40, $0x38;
	[tilespmem:$0x1FF80] =	vst v63  }
0x83: {  	s20 =	rddreg [dreg:$0xb];
	s24 =	simm.s32 $0x17A00  }
0x84: {  	[tilespmem:s24], [sflag:$0x1] =	stream.linear.gather [hbm4b:s20+s5], $0x40, $0x38;
	[tilespmem:$0x1FF80] =	vst v63  }
0x85: {  	s25 =	rddreg [dreg:$0xc]  }
0x86: {  	[tilespmem:s10], [sflag:$0x7] =	stream.linear.gather [hbm4b:s25+s5], $0x2000, $0x38;
	[tilespmem:$0x1FF80] =	vst v63  }
0x87: {  	_ =	swait.ge [sflag:s22], $0x40  }
0x88: {  	[sflag:s22] =	ssyncset.done $0x0  }
0x89: {  	[sflag:s22] =	ssyncadd.s32 $0xFFFFFFC0  }
0x8a: {  	_ =	swait.ge [sflag:s22], $0x40  }
0x8b: {  	s29 =	simm.s32 $0x17A80;
	s31 =	sadd.s32 $0x0, s6;
	[sflag:s22] =	ssyncset.done $0x0  }
0x8c: {  	p1 =	sgt.u32 s31, $0x4E1;
	[sflag:s22] =	ssyncadd.s32 $0xFFFFFFC0;
	s22 =	rddreg [dreg:$0x10]  }
0x8d: {  	[tilespmem:s29], [sflag:$0x4] =	stream.indirect.gather [hbm4b:s3+s30], $0x80, s24, s30, $0xb8;
	[tilespmem:$0x1FF80] =	vst v63  }
0x8e: {  	s5 =	simm.s32 $0x10;
	s24 =	simm.s32 @!p1 $0x1FB80;
	s20 =	sadd.s32 $0x4000, s22  }
.LBB2_2:
0x8f: {  	[spmem:s22] =	stream.linear.scatter @!p1 [tilespmem:s24], [sflag:$0x1], $0x400, $0x38;
	[tilespmem:$0x1FF80] =	vst v63  }
0x90: {  	s24 =	smov.u32 s5;
	s5 =	sadd.s32 $0x10, s5  }
0x91: {  	p2 =	sne.s32 s5, $0x4F0  }
.Ltmp2:
0x92: {  	(pc) =	sbr.rel @p2 .LBB2_2-.Ltmp2, $4  }
0x93: {  	s22 =	smov.u32 s20  }
0x94: {  	s24 =	sadd.s32 s24, s6  }
0x95: {  	p1 =	sgt.u32 s24, $0x4E1  }
0x96: {  	s20 =	sadd.s32 $0x4000, s20;
	s24 =	simm.s32 @!p1 $0x1FB80  }
0x97: {  	[spmem:s22] =	stream.linear.scatter @!p1 [tilespmem:s24], [sflag:$0x1], $0x400, $0x38;
	[tilespmem:$0x1FF80] =	vst v63  }
0x98: {  	p1 =	sle.u32 s17, $0x0  }
0x99: {  	s20 =	simm.s32 @!p1 $0x1  }
0x9a: {  	_ =	swait.ge @!p1 [sflag:s20], $0x400  }
0x9b: {  	s5 =	simm.s32 $0x10;
	[sflag:s20] =	ssyncset.done @!p1 $0x0  }
.LBB2_4:
0x9c: {  	[sflag:s20] =	ssyncadd.s32 @!p1 $0xFFFFFC00;
	s20 =	smov.u32 s5;
	s5 =	sadd.s32 $0x10, s5  }
0x9d: {  	p2 =	sne.s32 s5, $0x4F0  }
.Ltmp3:
0x9e: {  	(pc) =	sbr.rel @p2 .LBB2_4-.Ltmp3, $4  }
0x9f: {  	p1 =	sge.u32 s20, s17  }
0xa0: {  	s20 =	simm.s32 @!p1 $0x1  }
0xa1: {  	_ =	swait.ge @!p1 [sflag:s20], $0x400  }
0xa2: {  	[sflag:s20] =	ssyncset.done @!p1 $0x0  }
.Ltmp4:
0xa3: {  	(pc) =	sbr.rel .LBB2_6-.Ltmp4, $4  }
0xa4: {  	_ = 	snop  }
0xa5: {  	[sflag:s20] =	ssyncadd.s32 @!p1 $0xFFFFFC00  }
0xa6: {  	[bflag:$0x0] =	sbarrier.arrive $0xFFFF  }
0xa7: {  	s24 =	simm.s32 $0x0  }
.LBB2_18:
0xa8: {  	s24 =	sadd.s32 $0x1, s24  }
0xa9: {  	p1 =	sne.s32 s24, $0x36  }
.Ltmp5:
0xaa: {  	_ = 	snop;
	(pc) =	sbr.rel @!p1 .LBB2_19-.Ltmp5, $1  }
0xab: {  	_ =	sdelay $0x3  }
.LBB2_6:
0xac: {  	s25 =	smul.u32 $0x3, s24  }
0xad: {  	p1 =	seq.s32 s24, $0x0  }
0xae: {  	p2 =	sgt.u32 @!p1 s25, s8  }
0xaf: {  	p1 =	por p2, p1;
	p2 =	sge.u32 s25, s8  }
.Ltmp6:
0xb0: {  	_ = 	snop;
	(pc) =	sbr.rel @p2 .LBB2_10-.Ltmp6, $4  }
0xb1: {  	s5 =	simm.s32 @!p1 $0x2  }
0xb2: {  	_ =	swait.ge @!p1 [sflag:s5], $0x2000  }
0xb3: {  	s20 =	sadd.s32 $0x2, s25;
	[sflag:s5] =	ssyncset.done @!p1 $0x0  }
0xb4: {  	[sflag:s5] =	ssyncadd.s32 @!p1 $0xFFFFE000;
	p1 =	sge.u32 s20, s8  }
0xb5: {  	s5 =	sshll.u32 @!p1 s20, $0xB  }
0xb6: {  	s5 =	sor.u32 @!p1 s9, s5  }
0xb7: {  	s22 =	sshll.u32 @!p1 s5, $0x1  }
0xb8: {  	s29 =	sand.u32 @!p1 $0x7FFFFF00, s22  }
0xb9: {  	_ =	swait.ge [sflag:s11], $0x2000;
	s29 =	sor.u32 @!p1 s12, s29  }
0xba: {  	s31 =	simm.s32 @!p1 $0x0;
	[sflag:s11] =	ssyncset.done $0x0;
	s29 =	sshrl.u32 @!p1 s29, $0x3  }
0xbb: {  	s19 =	simm.s32 @!p1 $0x1BA80;
	[sflag:s11] =	ssyncadd.s32 $0xFFFFE000;
	s29 =	sadd.s32 @!p1 s1, s29  }
0xbc: {  	[tilespmem:s19], [sflag:$0x1] =	stream.linear.gather @!p1 [hbm4b:s29+s31], $0x40, $0x38;
	[tilespmem:$0x1FF80] =	vst v63  }
0xbd: {  	s19 =	sor.u32 @!p1 s12, s22  }
0xbe: {  	s19 =	sshrl.u32 @!p1 s19, $0x3  }
0xbf: {  	s19 =	sor.u32 @!p1 $0x10, s19  }
0xc0: {  	s5 =	sshll.u32 @!p1 s5, $0x4;
	s22 =	simm.s32 @!p1 $0x1BB00;
	s19 =	sadd.s32 @!p1 s1, s19  }
0xc1: {  	[tilespmem:s22], [sflag:$0x1] =	stream.linear.gather @!p1 [hbm4b:s19+s31], $0x40, $0x38;
	[tilespmem:$0x1FF80] =	vst v63  }
0xc2: {  	s5 =	sadd.s32 @!p1 s2, s5;
	s19 =	simm.s32 @!p1 $0x1DB80  }
0xc3: {  	[tilespmem:s19], [sflag:$0x8] =	stream.linear.gather @!p1 [hbm4b:s5+s31], $0x2000, $0x38;
	[tilespmem:$0x1FF80] =	vst v63  }
0xc4: {  	_ =	swait.ge [sflag:s13], $0x2000  }
0xc5: {  	[sflag:s13] =	ssyncset.done $0x0  }
0xc6: {  	s22 =	simm.s32 $0x0;
	[sflag:s13] =	ssyncadd.s32 $0xFFFFE000  }
0xc7: {  	v8 =	vld [tilespmem:s22+$0x13980]  }
0xc8: {  	v12 =	vld [tilespmem:s22+$0x13990]  }
0xc9: {  	v6 =	vld [tilespmem:s22+$0x139A0]  }
0xca: {  	v5 =	vld [tilespmem:s22+$0x139B0]  }
0xcb: {  	v4 =	vld [tilespmem:s22+$0x139C0]  }
0xcc: {  	v3 =	vld [tilespmem:s22+$0x139D0]  }
0xcd: {  	v2 =	vld [tilespmem:s22+$0x139E0]  }
0xce: {  	v1 =	vld [tilespmem:s22+$0x139F0]  }
0xcf: {  	v13 =	vld [tilespmem:s22+$0x15980]  }
0xd0: {  	v14 =	vld [tilespmem:s22+$0x15990]  }
0xd1: {  	v11 =	vld [tilespmem:s22+$0x159A0]  }
0xd2: {  	v10 =	vld [tilespmem:s22+$0x159B0]  }
0xd3: {  	v9 =	vld [tilespmem:s22+$0x159C0]  }
0xd4: {  	v7 =	vld [tilespmem:s22+$0x159D0];
	v13 =	vmul.f32 v8, v13  }
0xd5: {  	s5 =	simm.s32 $0x200;
	v12 =	vmul.f32 v12, v14;
	v8 =	vld [tilespmem:s22+$0x159E0]  }
.LBB2_8:
0xd6: {  	s19 =	sshra.s32 s5, $0x2;
	p2 =	sne.s32 s5, $0x7E00;
	[tilespmem:s22+$0x15980] =	vst v13;
	v6 =	vmul.f32 v6, v11;
	v11 =	vld [tilespmem:s22+$0x159F0]  }
0xd7: {  	v13 =	vld [tilespmem:s19+$0x13980];
	[tilespmem:s22+$0x15990] =	vst v12;
	v5 =	vmul.f32 v5, v10  }
0xd8: {  	v12 =	vld [tilespmem:s19+$0x13990];
	[tilespmem:s22+$0x159A0] =	vst v6;
	v4 =	vmul.f32 v4, v9  }
0xd9: {  	v6 =	vld [tilespmem:s19+$0x139A0];
	[tilespmem:s22+$0x159B0] =	vst v5;
	v3 =	vmul.f32 v3, v7  }
0xda: {  	v5 =	vld [tilespmem:s19+$0x139B0];
	[tilespmem:s22+$0x159C0] =	vst v4;
	v2 =	vmul.f32 v2, v8  }
0xdb: {  	v4 =	vld [tilespmem:s19+$0x139C0];
	[tilespmem:s22+$0x159D0] =	vst v3;
	v1 =	vmul.f32 v1, v11  }
0xdc: {  	v3 =	vld [tilespmem:s19+$0x139D0];
	[tilespmem:s22+$0x159E0] =	vst v2  }
0xdd: {  	v2 =	vld [tilespmem:s19+$0x139E0];
	[tilespmem:s22+$0x159F0] =	vst v1;
	s22 =	smov.u32 s19  }
0xde: {  	v1 =	vld [tilespmem:s22+$0x139F0]  }
0xdf: {  	v7 =	vld [tilespmem:s22+$0x15980]  }
0xe0: {  	v8 =	vld [tilespmem:s22+$0x15990]  }
.Ltmp7:
0xe1: {  	v11 =	vld [tilespmem:s22+$0x159A0];
	(pc) =	sbr.rel @p2 .LBB2_8-.Ltmp7, $4  }
0xe2: {  	v10 =	vld [tilespmem:s22+$0x159B0]  }
0xe3: {  	v9 =	vld [tilespmem:s22+$0x159C0]  }
0xe4: {  	v13 =	vmul.f32 v13, v7;
	v7 =	vld [tilespmem:s22+$0x159D0]  }
0xe5: {  	s5 =	sadd.s32 $0x200, s5;
	v12 =	vmul.f32 v12, v8;
	v8 =	vld [tilespmem:s22+$0x159E0]  }
0xe6: {  	[tilespmem:s22+$0x15980] =	vst v13;
	v6 =	vmul.f32 v6, v11;
	v63 =	vld [tilespmem:s22+$0x159F0]  }
0xe7: {  	[tilespmem:s22+$0x15990] =	vst v12;
	v5 =	vmul.f32 v5, v10  }
0xe8: {  	[tilespmem:s22+$0x159A0] =	vst v6;
	v4 =	vmul.f32 v4, v9  }
0xe9: {  	[tilespmem:s22+$0x159B0] =	vst v5;
	v3 =	vmul.f32 v3, v7  }
0xea: {  	[tilespmem:s22+$0x159C0] =	vst v4;
	v2 =	vmul.f32 v2, v8  }
0xeb: {  	[tilespmem:s22+$0x159D0] =	vst v3;
	v1 =	vmul.f32 v1, v63  }
0xec: {  	[tilespmem:s22+$0x159E0] =	vst v2  }
0xed: {  	s5 =	simm.s32 @!p1 $0x1;
	[tilespmem:s22+$0x159F0] =	vst v1  }
0xee: {  	[spmem:s4] =	stream.indirect.scatter.add.f32 [tilespmem:s28], [sflag:$0x2], $0x80, s23, s30, $0xb8;
	[tilespmem:$0x1FF80] =	vst v63  }
0xef: {  	_ =	swait.ge @!p1 [sflag:s5], $0x40  }
0xf0: {  	[sflag:s5] =	ssyncset.done @!p1 $0x0  }
0xf1: {  	[sflag:s5] =	ssyncadd.s32 @!p1 $0xFFFFFFC0  }
0xf2: {  	_ =	swait.ge @!p1 [sflag:s5], $0x40  }
0xf3: {  	s19 =	simm.s32 @!p1 $0x1BB00;
	[sflag:s5] =	ssyncset.done @!p1 $0x0  }
0xf4: {  	s22 =	simm.s32 @!p1 $0x1BB80;
	[sflag:s5] =	ssyncadd.s32 @!p1 $0xFFFFFFC0;
	s5 =	simm.s32 @!p1 $0x40  }
0xf5: {  	[tilespmem:s22], [sflag:$0x5] =	stream.indirect.gather @!p1 [hbm4b:s3+s5], $0x80, s19, s5, $0xb8;
	[tilespmem:$0x1FF80] =	vst v63  }
0xf6: {  	_ =	swait.ge [sflag:s7], $0x2000  }
0xf7: {  	[sflag:s7] =	ssyncset.done $0x0  }
0xf8: {  	[sflag:s7] =	ssyncadd.s32 $0xFFFFE000  }
.LBB2_10:
0xf9: {  	p2 =	sge.u32 s25, s21  }
.Ltmp8:
0xfa: {  	_ = 	snop;
	(pc) =	sbr.rel @p2 .LBB2_14-.Ltmp8, $1  }
0xfb: {  	_ =	sdelay $0x3  }
0xfc: {  	s5 =	sadd.s32 $0x3, s25  }
0xfd: {  	p2 =	sge.u32 s5, s8  }
0xfe: {  	s5 =	sshll.u32 @!p2 s5, $0xB  }
0xff: {  	s5 =	sor.u32 @!p2 s9, s5  }
0x100: {  	_ =	swait.ge [sflag:s14], $0x2000;
	s19 =	sshll.u32 @!p2 s5, $0x1  }
0x101: {  	[sflag:s14] =	ssyncset.done $0x0;
	s22 =	sand.u32 @!p2 $0x7FFFFF00, s19  }
0x102: {  	[sflag:s14] =	ssyncadd.s32 $0xFFFFE000;
	s19 =	sor.u32 @!p2 s12, s19;
	s22 =	sor.u32 @!p2 s12, s22  }
0x103: {  	s29 =	simm.s32 @!p2 $0x0;
	s19 =	sshrl.u32 @!p2 s19, $0x3;
	s22 =	sshrl.u32 @!p2 s22, $0x3  }
0x104: {  	s31 =	simm.s32 @!p2 $0x13880;
	s19 =	sor.u32 @!p2 $0x10, s19;
	s22 =	sadd.s32 @!p2 s1, s22  }
0x105: {  	[tilespmem:s31], [sflag:$0x1] =	stream.linear.gather @!p2 [hbm4b:s22+s29], $0x40, $0x38;
	[tilespmem:$0x1FF80] =	vst v63  }
0x106: {  	s5 =	sshll.u32 @!p2 s5, $0x4;
	s19 =	sadd.s32 @!p2 s1, s19;
	s22 =	simm.s32 @!p2 $0x13900  }
0x107: {  	[tilespmem:s22], [sflag:$0x1] =	stream.linear.gather @!p2 [hbm4b:s19+s29], $0x40, $0x38;
	[tilespmem:$0x1FF80] =	vst v63  }
0x108: {  	s5 =	sadd.s32 @!p2 s2, s5;
	s19 =	simm.s32 @!p2 $0x15980  }
0x109: {  	[tilespmem:s19], [sflag:$0x6] =	stream.linear.gather @!p2 [hbm4b:s5+s29], $0x2000, $0x38;
	[tilespmem:$0x1FF80] =	vst v63  }
0x10a: {  	_ =	swait.ge [sflag:s15], $0x2000  }
0x10b: {  	[sflag:s15] =	ssyncset.done $0x0  }
0x10c: {  	s22 =	simm.s32 $0x0;
	[sflag:s15] =	ssyncadd.s32 $0xFFFFE000  }
0x10d: {  	v8 =	vld [tilespmem:s22+$0x17A80]  }
0x10e: {  	v12 =	vld [tilespmem:s22+$0x17A90]  }
0x10f: {  	v6 =	vld [tilespmem:s22+$0x17AA0]  }
0x110: {  	v5 =	vld [tilespmem:s22+$0x17AB0]  }
0x111: {  	v4 =	vld [tilespmem:s22+$0x17AC0]  }
0x112: {  	v3 =	vld [tilespmem:s22+$0x17AD0]  }
0x113: {  	v2 =	vld [tilespmem:s22+$0x17AE0]  }
0x114: {  	v1 =	vld [tilespmem:s22+$0x17AF0]  }
0x115: {  	v13 =	vld [tilespmem:s22+$0x19A80]  }
0x116: {  	v14 =	vld [tilespmem:s22+$0x19A90]  }
0x117: {  	v11 =	vld [tilespmem:s22+$0x19AA0]  }
0x118: {  	v10 =	vld [tilespmem:s22+$0x19AB0]  }
0x119: {  	v9 =	vld [tilespmem:s22+$0x19AC0]  }
0x11a: {  	v7 =	vld [tilespmem:s22+$0x19AD0];
	v13 =	vmul.f32 v8, v13  }
0x11b: {  	s5 =	simm.s32 $0x200;
	v12 =	vmul.f32 v12, v14;
	v8 =	vld [tilespmem:s22+$0x19AE0]  }
.LBB2_12:
0x11c: {  	s19 =	sshra.s32 s5, $0x2;
	p3 =	sne.s32 s5, $0x7E00;
	[tilespmem:s22+$0x19A80] =	vst v13;
	v6 =	vmul.f32 v6, v11;
	v11 =	vld [tilespmem:s22+$0x19AF0]  }
0x11d: {  	v13 =	vld [tilespmem:s19+$0x17A80];
	[tilespmem:s22+$0x19A90] =	vst v12;
	v5 =	vmul.f32 v5, v10  }
0x11e: {  	v12 =	vld [tilespmem:s19+$0x17A90];
	[tilespmem:s22+$0x19AA0] =	vst v6;
	v4 =	vmul.f32 v4, v9  }
0x11f: {  	v6 =	vld [tilespmem:s19+$0x17AA0];
	[tilespmem:s22+$0x19AB0] =	vst v5;
	v3 =	vmul.f32 v3, v7  }
0x120: {  	v5 =	vld [tilespmem:s19+$0x17AB0];
	[tilespmem:s22+$0x19AC0] =	vst v4;
	v2 =	vmul.f32 v2, v8  }
0x121: {  	v4 =	vld [tilespmem:s19+$0x17AC0];
	[tilespmem:s22+$0x19AD0] =	vst v3;
	v1 =	vmul.f32 v1, v11  }
0x122: {  	v3 =	vld [tilespmem:s19+$0x17AD0];
	[tilespmem:s22+$0x19AE0] =	vst v2  }
0x123: {  	v2 =	vld [tilespmem:s19+$0x17AE0];
	[tilespmem:s22+$0x19AF0] =	vst v1;
	s22 =	smov.u32 s19  }
0x124: {  	v1 =	vld [tilespmem:s22+$0x17AF0]  }
0x125: {  	v7 =	vld [tilespmem:s22+$0x19A80]  }
0x126: {  	v8 =	vld [tilespmem:s22+$0x19A90]  }
.Ltmp9:
0x127: {  	v11 =	vld [tilespmem:s22+$0x19AA0];
	(pc) =	sbr.rel @p3 .LBB2_12-.Ltmp9, $4  }
0x128: {  	v10 =	vld [tilespmem:s22+$0x19AB0]  }
0x129: {  	v9 =	vld [tilespmem:s22+$0x19AC0]  }
0x12a: {  	v13 =	vmul.f32 v13, v7;
	v7 =	vld [tilespmem:s22+$0x19AD0]  }
0x12b: {  	s5 =	sadd.s32 $0x200, s5;
	v12 =	vmul.f32 v12, v8;
	v8 =	vld [tilespmem:s22+$0x19AE0]  }
0x12c: {  	[tilespmem:s22+$0x19A80] =	vst v13;
	v6 =	vmul.f32 v6, v11;
	v63 =	vld [tilespmem:s22+$0x19AF0]  }
0x12d: {  	[tilespmem:s22+$0x19A90] =	vst v12;
	v5 =	vmul.f32 v5, v10  }
0x12e: {  	[tilespmem:s22+$0x19AA0] =	vst v6;
	v4 =	vmul.f32 v4, v9  }
0x12f: {  	[tilespmem:s22+$0x19AB0] =	vst v5;
	v3 =	vmul.f32 v3, v7  }
0x130: {  	[tilespmem:s22+$0x19AC0] =	vst v4;
	v2 =	vmul.f32 v2, v8  }
0x131: {  	[tilespmem:s22+$0x19AD0] =	vst v3;
	v1 =	vmul.f32 v1, v63  }
0x132: {  	[tilespmem:s22+$0x19AE0] =	vst v2  }
0x133: {  	s5 =	simm.s32 @!p2 $0x1;
	[tilespmem:s22+$0x19AF0] =	vst v1  }
0x134: {  	[spmem:s4] =	stream.indirect.scatter.add.f32 [tilespmem:s10], [sflag:$0x2], $0x80, s0, s30, $0xb8;
	[tilespmem:$0x1FF80] =	vst v63  }
0x135: {  	_ =	swait.ge @!p2 [sflag:s5], $0x40  }
0x136: {  	[sflag:s5] =	ssyncset.done @!p2 $0x0  }
0x137: {  	[sflag:s5] =	ssyncadd.s32 @!p2 $0xFFFFFFC0  }
0x138: {  	_ =	swait.ge @!p2 [sflag:s5], $0x40  }
0x139: {  	s19 =	simm.s32 @!p2 $0x13900;
	[sflag:s5] =	ssyncset.done @!p2 $0x0  }
0x13a: {  	s22 =	simm.s32 @!p2 $0x13980;
	[sflag:s5] =	ssyncadd.s32 @!p2 $0xFFFFFFC0;
	s5 =	simm.s32 @!p2 $0x40  }
0x13b: {  	[tilespmem:s22], [sflag:$0x3] =	stream.indirect.gather @!p2 [hbm4b:s3+s5], $0x80, s19, s5, $0xb8;
	[tilespmem:$0x1FF80] =	vst v63  }
.LBB2_14:
.Ltmp10:
0x13c: {  	p2 =	sgt.u32 s20, s8;
	(pc) =	sbr.rel @p1 .LBB2_18-.Ltmp10, $4  }
0x13d: {  	s5 =	simm.s32 @!p2 $0x2  }
0x13e: {  	_ =	swait.ge @!p2 [sflag:s5], $0x2000  }
0x13f: {  	[sflag:s5] =	ssyncset.done @!p2 $0x0  }
0x140: {  	[sflag:s5] =	ssyncadd.s32 @!p2 $0xFFFFE000  }
0x141: {  	s5 =	sadd.s32 $0x4, s25  }
0x142: {  	p1 =	sge.u32 s5, s8  }
0x143: {  	s5 =	sshll.u32 @!p1 s5, $0xB  }
0x144: {  	s5 =	sor.u32 @!p1 s9, s5  }
0x145: {  	_ =	swait.ge [sflag:s16], $0x2000;
	s19 =	sshll.u32 @!p1 s5, $0x1  }
0x146: {  	[sflag:s16] =	ssyncset.done $0x0;
	s20 =	sand.u32 @!p1 $0x7FFFFF00, s19  }
0x147: {  	[sflag:s16] =	ssyncadd.s32 $0xFFFFE000;
	s19 =	sor.u32 @!p1 s12, s19;
	s20 =	sor.u32 @!p1 s12, s20  }
0x148: {  	s22 =	simm.s32 @!p1 $0x0;
	s19 =	sshrl.u32 @!p1 s19, $0x3;
	s20 =	sshrl.u32 @!p1 s20, $0x3  }
0x149: {  	s25 =	simm.s32 @!p1 $0x17980;
	s19 =	sor.u32 @!p1 $0x10, s19;
	s20 =	sadd.s32 @!p1 s1, s20  }
0x14a: {  	[tilespmem:s25], [sflag:$0x1] =	stream.linear.gather @!p1 [hbm4b:s20+s22], $0x40, $0x38;
	[tilespmem:$0x1FF80] =	vst v63  }
0x14b: {  	s5 =	sshll.u32 @!p1 s5, $0x4;
	s19 =	sadd.s32 @!p1 s1, s19;
	s20 =	simm.s32 @!p1 $0x17A00  }
0x14c: {  	[tilespmem:s20], [sflag:$0x1] =	stream.linear.gather @!p1 [hbm4b:s19+s22], $0x40, $0x38;
	[tilespmem:$0x1FF80] =	vst v63  }
0x14d: {  	s5 =	sadd.s32 @!p1 s2, s5;
	s19 =	simm.s32 @!p1 $0x19A80  }
0x14e: {  	[tilespmem:s19], [sflag:$0x7] =	stream.linear.gather @!p1 [hbm4b:s5+s22], $0x2000, $0x38;
	[tilespmem:$0x1FF80] =	vst v63  }
0x14f: {  	_ =	swait.ge [sflag:s18], $0x2000  }
0x150: {  	[sflag:s18] =	ssyncset.done $0x0  }
0x151: {  	s20 =	simm.s32 $0x0;
	[sflag:s18] =	ssyncadd.s32 $0xFFFFE000  }
0x152: {  	v8 =	vld [tilespmem:s20+$0x1BB80]  }
0x153: {  	v12 =	vld [tilespmem:s20+$0x1BB90]  }
0x154: {  	v6 =	vld [tilespmem:s20+$0x1BBA0]  }
0x155: {  	v5 =	vld [tilespmem:s20+$0x1BBB0]  }
0x156: {  	v4 =	vld [tilespmem:s20+$0x1BBC0]  }
0x157: {  	v3 =	vld [tilespmem:s20+$0x1BBD0]  }
0x158: {  	v2 =	vld [tilespmem:s20+$0x1BBE0]  }
0x159: {  	v1 =	vld [tilespmem:s20+$0x1BBF0]  }
0x15a: {  	v13 =	vld [tilespmem:s20+$0x1DB80]  }
0x15b: {  	v14 =	vld [tilespmem:s20+$0x1DB90]  }
0x15c: {  	v11 =	vld [tilespmem:s20+$0x1DBA0]  }
0x15d: {  	v10 =	vld [tilespmem:s20+$0x1DBB0]  }
0x15e: {  	v9 =	vld [tilespmem:s20+$0x1DBC0]  }
0x15f: {  	v7 =	vld [tilespmem:s20+$0x1DBD0];
	v13 =	vmul.f32 v8, v13  }
0x160: {  	s5 =	simm.s32 $0x200;
	v12 =	vmul.f32 v12, v14;
	v8 =	vld [tilespmem:s20+$0x1DBE0]  }
.LBB2_16:
0x161: {  	s19 =	sshra.s32 s5, $0x2;
	p2 =	sne.s32 s5, $0x7E00;
	[tilespmem:s20+$0x1DB80] =	vst v13;
	v6 =	vmul.f32 v6, v11;
	v11 =	vld [tilespmem:s20+$0x1DBF0]  }
0x162: {  	v13 =	vld [tilespmem:s19+$0x1BB80];
	[tilespmem:s20+$0x1DB90] =	vst v12;
	v5 =	vmul.f32 v5, v10  }
0x163: {  	v12 =	vld [tilespmem:s19+$0x1BB90];
	[tilespmem:s20+$0x1DBA0] =	vst v6;
	v4 =	vmul.f32 v4, v9  }
0x164: {  	v6 =	vld [tilespmem:s19+$0x1BBA0];
	[tilespmem:s20+$0x1DBB0] =	vst v5;
	v3 =	vmul.f32 v3, v7  }
0x165: {  	v5 =	vld [tilespmem:s19+$0x1BBB0];
	[tilespmem:s20+$0x1DBC0] =	vst v4;
	v2 =	vmul.f32 v2, v8  }
0x166: {  	v4 =	vld [tilespmem:s19+$0x1BBC0];
	[tilespmem:s20+$0x1DBD0] =	vst v3;
	v1 =	vmul.f32 v1, v11  }
0x167: {  	v3 =	vld [tilespmem:s19+$0x1BBD0];
	[tilespmem:s20+$0x1DBE0] =	vst v2  }
0x168: {  	v2 =	vld [tilespmem:s19+$0x1BBE0];
	[tilespmem:s20+$0x1DBF0] =	vst v1;
	s20 =	smov.u32 s19  }
0x169: {  	v1 =	vld [tilespmem:s20+$0x1BBF0]  }
0x16a: {  	v7 =	vld [tilespmem:s20+$0x1DB80]  }
0x16b: {  	v8 =	vld [tilespmem:s20+$0x1DB90]  }
.Ltmp11:
0x16c: {  	v11 =	vld [tilespmem:s20+$0x1DBA0];
	(pc) =	sbr.rel @p2 .LBB2_16-.Ltmp11, $4  }
0x16d: {  	v10 =	vld [tilespmem:s20+$0x1DBB0]  }
0x16e: {  	v9 =	vld [tilespmem:s20+$0x1DBC0]  }
0x16f: {  	v13 =	vmul.f32 v13, v7;
	v7 =	vld [tilespmem:s20+$0x1DBD0]  }
0x170: {  	s5 =	sadd.s32 $0x200, s5;
	v12 =	vmul.f32 v12, v8;
	v8 =	vld [tilespmem:s20+$0x1DBE0]  }
0x171: {  	[tilespmem:s20+$0x1DB80] =	vst v13;
	v6 =	vmul.f32 v6, v11;
	v63 =	vld [tilespmem:s20+$0x1DBF0]  }
0x172: {  	[tilespmem:s20+$0x1DB90] =	vst v12;
	v5 =	vmul.f32 v5, v10  }
0x173: {  	[tilespmem:s20+$0x1DBA0] =	vst v6;
	v4 =	vmul.f32 v4, v9  }
0x174: {  	[tilespmem:s20+$0x1DBB0] =	vst v5;
	v3 =	vmul.f32 v3, v7  }
0x175: {  	[tilespmem:s20+$0x1DBC0] =	vst v4;
	v2 =	vmul.f32 v2, v8  }
0x176: {  	[tilespmem:s20+$0x1DBD0] =	vst v3;
	v1 =	vmul.f32 v1, v63  }
0x177: {  	[tilespmem:s20+$0x1DBE0] =	vst v2  }
0x178: {  	s5 =	simm.s32 $0x1BA80;
	[tilespmem:s20+$0x1DBF0] =	vst v1  }
0x179: {  	[spmem:s4] =	stream.indirect.scatter.add.f32 [tilespmem:s26], [sflag:$0x2], $0x80, s5, s30, $0xb8;
	[tilespmem:$0x1FF80] =	vst v63  }
0x17a: {  	s5 =	simm.s32 @!p1 $0x1  }
0x17b: {  	_ =	swait.ge @!p1 [sflag:s5], $0x40  }
0x17c: {  	[sflag:s5] =	ssyncset.done @!p1 $0x0  }
.Ltmp12:
0x17d: {  	[sflag:s5] =	ssyncadd.s32 @!p1 $0xFFFFFFC0;
	(pc) =	sbr.rel .LBB2_18-.Ltmp12, $4  }
0x17e: {  	_ =	swait.ge @!p1 [sflag:s5], $0x40  }
0x17f: {  	s19 =	simm.s32 @!p1 $0x17A00;
	[sflag:s5] =	ssyncset.done @!p1 $0x0  }
0x180: {  	s20 =	simm.s32 @!p1 $0x17A80;
	[sflag:s5] =	ssyncadd.s32 @!p1 $0xFFFFFFC0;
	s5 =	simm.s32 @!p1 $0x40  }
0x181: {  	[tilespmem:s20], [sflag:$0x4] =	stream.indirect.gather @!p1 [hbm4b:s3+s5], $0x80, s19, s5, $0xb8;
	[tilespmem:$0x1FF80] =	vst v63  }
.LBB2_20:
0x182: {  	_ =	sfence.sel $0x180000  }
0x183: {  	[bflag:$0x0] =	sbarrier.arrive $0xFFFF  }
0x184: {  	_ =	strace $0x90000047  }
0x185: {  	[bflag:$0x2] =	sbarrier.arrive $0xFFFF  }
0x186: {  	p0 =	sne.s32 s6, $0x0;
	s0 =	rddreg [dreg:$0x5]  }
0x187: {  	s0 =	sadd.s32 @!p0 $0x100000, s0  }
0x188: {  	[sflag:s0] =	ssyncadd.tile.s32 @!p0 $0x1;
	_ =	shalt  }
.Lfunc_end2:
_tile_overlayer_lowered:
.L_overlay_start_2:
0x189: {  	(tag) =	ssettag $0x2  }
0x18a: {  	s0 =	rddreg [dreg:$0x0];
	s2 =	stileid.u32  }
0x18b: {  	s1 =	rddreg [dreg:$0x1];
	p0 =	sne.s32 s2, $0x0  }
0x18c: {  	s3 =	rddreg [dreg:$0x2];
	[bflag:$0x3] =	sbarrier.arrive $0xFFFF;
	s2 =	simm.s32 @!p0 $0x1C09  }
0x18d: {  	[timem:s3], [sflag:s2] =	dma.local @!p0 [hbm:s0], s1  }
0x18e: {  	s0 =	simm.s32 @!p0 $0x9  }
0x18f: {  	_ =	swait.ge @!p0 [sflag:s0], s1  }
0x190: {  	s1 =	ssub.s32 @!p0 $0x0, s1;
	[sflag:s0] =	ssyncset.done @!p0 $0x0  }
0x191: {  	[sflag:s0] =	ssyncadd.s32 @!p0 s1  }
0x192: {  	[bflag:$0x3] =	sbarrier.arrive $0xFFFF  }
0x193: {  	_ =	shalt  }

</sc_bundles>
